<compile_context>
chip_gen: v7x
topology: tpu7x:2x2x1
jax: 0.10.2.dev20260603
libtpu: 0.0.44.dev20260713+nightly
codegen_flags: <defaults>
</compile_context>

<pallas_src>
import functools

import jax
import jax.numpy as jnp
from jax import lax
from jax.experimental import pallas as pl
from jax.experimental.pallas import tpu as pltpu
from jax.experimental.pallas import tpu_sc as plsc

N = 10000
E = 320000
F = 128
FE = 144
NPAD = 10112
NC = 2
NS = 16
NW = NC * NS
CHUNK = 128
EPT = 10112
EPAD = EPT * NW
RBLK = 632
CBLK = 80


def _proj_body(x_ref, w_ref, al_ref, ar_ref, hext_ref, el_ref, er_ref):
    h = lax.dot_general(x_ref[...], w_ref[...],
                        (((1,), (1,)), ((), ())),
                        preferred_element_type=jnp.float32)
    lane16 = lax.broadcasted_iota(jnp.int32, (RBLK, FE - F), 1)
    extra = jnp.where(lane16 == 0, 1.0, 0.0).astype(jnp.float32)
    hext_ref[...] = jnp.concatenate([h, extra], axis=1)
    el_ref[0, 0, :] = jnp.sum(h * al_ref[...], axis=1)
    er_ref[0, 0, :] = jnp.sum(h * ar_ref[...], axis=1)


_proj = pl.pallas_call(
    _proj_body,
    grid=(NPAD // RBLK,),
    in_specs=[
        pl.BlockSpec((RBLK, F), lambda i: (i, 0)),
        pl.BlockSpec((F, F), lambda i: (0, 0)),
        pl.BlockSpec((1, F), lambda i: (0, 0)),
        pl.BlockSpec((1, F), lambda i: (0, 0)),
    ],
    out_specs=[
        pl.BlockSpec((RBLK, FE), lambda i: (i, 0)),
        pl.BlockSpec((1, 1, RBLK), lambda i: (i, 0, 0)),
        pl.BlockSpec((1, 1, RBLK), lambda i: (i, 0, 0)),
    ],
    out_shape=[
        jax.ShapeDtypeStruct((NPAD, FE), jnp.float32),
        jax.ShapeDtypeStruct((NPAD // RBLK, 1, RBLK), jnp.float32),
        jax.ShapeDtypeStruct((NPAD // RBLK, 1, RBLK), jnp.float32),
    ],
)


def _edge_body(hext_hbm, el_hbm, er_hbm, src_hbm, dst_hbm, acc_hbm,
               el_v, er_v, src_v, dst_v, w_v, rows_v, acc_sh, sem):
    cid = lax.axis_index("c")
    sid = lax.axis_index("s")
    wid = sid * NC + cid

    pltpu.sync_copy(el_hbm, el_v)
    pltpu.sync_copy(er_hbm, er_v)

    def _zero_row(r, carry):
        for j in range(FE // 16):
            rows_v[r, pl.ds(j * 16, 16)] = jnp.zeros((16,), jnp.float32)
        return carry
    lax.fori_loop(0, CHUNK, _zero_row, 0)
    for k in range(RBLK // CHUNK):
        pltpu.sync_copy(rows_v, acc_sh.at[pl.ds(sid * RBLK + k * CHUNK, CHUNK)])
    rem = RBLK % CHUNK
    if rem:
        pltpu.sync_copy(rows_v.at[pl.ds(0, rem)],
                        acc_sh.at[pl.ds(sid * RBLK + (RBLK // CHUNK) * CHUNK, rem)])
    plsc.subcore_barrier()

    def _chunk(g, carry):
        base = wid * EPT + g * CHUNK
        pltpu.sync_copy(src_hbm.at[pl.ds(base, CHUNK)], src_v)
        pltpu.sync_copy(dst_hbm.at[pl.ds(base, CHUNK)], dst_v)
        for i in range(CHUNK // 16):
            s_idx = src_v[pl.ds(i * 16, 16)]
            d_idx = dst_v[pl.ds(i * 16, 16)]
            e = plsc.load_gather(el_v, [s_idx]) + plsc.load_gather(er_v, [d_idx])
            e = jnp.where(e > 0, e, 0.2 * e)
            w_v[pl.ds(i * 16, 16)] = jnp.exp(e)
        pltpu.async_copy(hext_hbm.at[src_v], rows_v, sem).wait()
        def _scale_row(r, carry2):
            wr = jnp.zeros((16,), jnp.int32) + r
            wvec = plsc.load_gather(w_v, [wr])
            for j in range(FE // 16):
                rows_v[r, pl.ds(j * 16, 16)] = rows_v[r, pl.ds(j * 16, 16)] * wvec
            return carry2
        lax.fori_loop(0, CHUNK, _scale_row, 0)
        pltpu.sync_copy(rows_v, acc_sh.at[dst_v], add=True)
        return carry

    lax.fori_loop(0, EPT // CHUNK, _chunk, 0)

    plsc.subcore_barrier()
    pltpu.sync_copy(acc_sh.at[pl.ds(sid * RBLK, RBLK)],
                    acc_hbm.at[cid, pl.ds(sid * RBLK, RBLK)])


_edge = functools.partial(
    pl.kernel,
    out_type=jax.ShapeDtypeStruct((NC, NPAD, FE), jnp.float32),
    mesh=plsc.VectorSubcoreMesh(core_axis_name="c", subcore_axis_name="s"),
    scratch_types=[
        pltpu.VMEM((NPAD,), jnp.float32),
        pltpu.VMEM((NPAD,), jnp.float32),
        pltpu.VMEM((CHUNK,), jnp.int32),
        pltpu.VMEM((CHUNK,), jnp.int32),
        pltpu.VMEM((CHUNK,), jnp.float32),
        pltpu.VMEM((CHUNK, FE), jnp.float32),
        pltpu.VMEM_SHARED((NPAD, FE), jnp.float32),
        pltpu.SemaphoreType.DMA,
    ],
    compiler_params=pltpu.CompilerParams(needs_layout_passes=False,
                                         use_tc_tiling_on_sc=False),
)(_edge_body)


def _combine_body(a0_ref, a1_ref, out_ref):
    s = a0_ref[...] + a1_ref[...]
    lane = lax.broadcasted_iota(jnp.int32, (CBLK, FE), 1)
    den = jnp.sum(jnp.where(lane == F, s, 0.0), axis=1, keepdims=True)
    msg = s[:, :F]
    out_ref[...] = jnp.where(den > 0, msg / den, 0.0)


_combine = pl.pallas_call(
    _combine_body,
    grid=(N // CBLK,),
    in_specs=[
        pl.BlockSpec((CBLK, FE), lambda i: (i, 0)),
        pl.BlockSpec((CBLK, FE), lambda i: (i, 0)),
    ],
    out_specs=pl.BlockSpec((CBLK, F), lambda i: (i, 0)),
    out_shape=jax.ShapeDtypeStruct((N, F), jnp.float32),
)


def kernel(x, edge_index, W, attn_l, attn_r):
    x_pad = jnp.zeros((NPAD, F), jnp.float32).at[:N].set(x)
    al = attn_l.reshape(1, F)
    ar = attn_r.reshape(1, F)
    hext, el3, er3 = _proj(x_pad, W, al, ar)
    el = el3.reshape(NPAD)
    er = er3.reshape(NPAD)
    pad = EPAD - E
    src_p = jnp.concatenate([edge_index[0], jnp.zeros((pad,), jnp.int32)])
    dst_p = jnp.concatenate([edge_index[1], jnp.full((pad,), N, jnp.int32)])
    acc = _edge(hext, el, er, src_p, dst_p)
    return _combine(acc[0], acc[1])

# --- scband reference (transcript-rebuilt; emitter-appended) ---
"""Pipeline reference for scband-gnnmodel-42228118454876 (READ-ONLY COPY).

The authoritative reference and input builder live on the scoring server;
editing this copy changes nothing except your own understanding.
"""

import jax, jax.numpy as jnp
import numpy as np

N_NODES = 10000
N_EDGES = 320000
D_FEAT = 128
N_HEADS = 1
OUT_FEATS = 128


def setup_inputs(seed: int = 0) -> dict:
    key = jax.random.key(seed)
    k1, k2, k3, k4, k5 = jax.random.split(key, 5)
    x = jax.random.normal(k1, (N_NODES, D_FEAT), dtype=jnp.float32)
    edge_index = jax.random.randint(k2, (2, N_EDGES), 0, N_NODES, dtype=jnp.int32)
    # fc weight (out_feats*num_heads, in_feats), xavier-normal-ish scaling
    W = jax.random.normal(k3, (N_HEADS * OUT_FEATS, D_FEAT), dtype=jnp.float32) * (2.0 / np.sqrt(D_FEAT + N_HEADS * OUT_FEATS))
    attn_l = jax.random.normal(k4, (1, N_HEADS, OUT_FEATS), dtype=jnp.float32) * 0.1
    attn_r = jax.random.normal(k5, (1, N_HEADS, OUT_FEATS), dtype=jnp.float32) * 0.1
    return {"x": x, "edge_index": edge_index, "W": W, "attn_l": attn_l, "attn_r": attn_r}


def reference(x, edge_index, W, attn_l, attn_r):
    N = x.shape[0]
    negative_slope = 0.2
    # feat projection: fc(x) -> [N, H, F]
    h = (x @ W.T).reshape(N, N_HEADS, OUT_FEATS)
    # GAT attention logits per node
    el = jnp.sum(h * attn_l, axis=-1)  # [N, H]
    er = jnp.sum(h * attn_r, axis=-1)  # [N, H]
    src = edge_index[0]
    dst = edge_index[1]
    # per-edge logits
    e = el[src] + er[dst]  # [E, H]
    e = jnp.where(e > 0, e, negative_slope * e)  # leaky_relu
    # edge softmax normalized over incoming edges of each dst node
    m = jax.ops.segment_max(e, dst, num_segments=N)  # [N, H]
    m = jnp.where(jnp.isfinite(m), m, 0.0)
    ee = jnp.exp(e - m[dst])  # [E, H]
    denom = jax.ops.segment_sum(ee, dst, num_segments=N)  # [N, H]
    alpha = ee / denom[dst]  # [E, H]
    # message passing: gather src feats, weight, scatter-add to dst
    msg = alpha[:, :, None] * h[src]  # [E, H, F]
    out = jax.ops.segment_sum(msg, dst, num_segments=N)  # [N, H, F]
    return out.reshape(N, N_HEADS * OUT_FEATS)

if __name__ == "__main__":
    import jax
    _d = setup_inputs()
    print(jax.jit(kernel)(*tuple(_d.values())))

</pallas_src>

<mosaic_0001>
#map = affine_map<(d0, d1) -> (0, 0)>
#map1 = affine_map<(d0, d1) -> (0)>
#map2 = affine_map<(d0, d1) -> (0, 0, 0)>
module attributes {stable_mosaic.version = 14 : i64} {
  func.func @_edge_body(%arg0: i32, %arg1: i32, %arg2: memref<10112x144xf32, #tpu.memory_space<hbm>>, %arg3: memref<10112xf32, #tpu.memory_space<hbm>>, %arg4: memref<10112xf32, #tpu.memory_space<hbm>>, %arg5: memref<323584xi32, #tpu.memory_space<hbm>>, %arg6: memref<323584xi32, #tpu.memory_space<hbm>>, %arg7: memref<2x10112x144xf32, #tpu.memory_space<hbm>>, %arg8: memref<10112xf32, #tpu.memory_space<vmem>>, %arg9: memref<10112xf32, #tpu.memory_space<vmem>>, %arg10: memref<128xi32, #tpu.memory_space<vmem>>, %arg11: memref<128xi32, #tpu.memory_space<vmem>>, %arg12: memref<128xf32, #tpu.memory_space<vmem>>, %arg13: memref<128x144xf32, #tpu.memory_space<vmem>>, %arg14: memref<10112x144xf32, #tpu.memory_space<vmem_shared>>, %arg15: memref<!tpu.dma_semaphore, #tpu.memory_space<semaphore_mem>>) attributes {dimension_semantics = [#tpu.dimension_semantics<core_parallel>, #tpu.dimension_semantics<subcore_parallel>], iteration_bounds = array<i64: 2, 16>, scalar_prefetch = 0 : i64, scratch_operands = 8 : i64, tpu.core_type = #tpu.core_type<sc_vector_subcore>, window_params = [{transform_indices = #map}, {transform_indices = #map1}, {transform_indices = #map1}, {transform_indices = #map1}, {transform_indices = #map1}, {transform_indices = #map2}]} {
    %mul3A = arith.constant 2 : i32
    %mul3A_0 = arith.muli %arg1, %mul3A : i32
    %add3A = arith.addi %mul3A_0, %arg0 : i32
    "tpu.region"() ({
      %run_scoped3A = tpu.sem_alloc : memref<!tpu.dma_semaphore, #tpu.memory_space<semaphore_mem>>
      tpu.enqueue_dma source(%arg3 : memref<10112xf32, #tpu.memory_space<hbm>>) target(%arg8 : memref<10112xf32, #tpu.memory_space<vmem>>) target_semaphore(%run_scoped3A : memref<!tpu.dma_semaphore, #tpu.memory_space<semaphore_mem>>)
      tpu.wait_dma2 semaphore(%run_scoped3A : memref<!tpu.dma_semaphore, #tpu.memory_space<semaphore_mem>>) src(%arg3 : memref<10112xf32, #tpu.memory_space<hbm>>) dst(%arg8 : memref<10112xf32, #tpu.memory_space<vmem>>)
      tpu.yield
    }) : () -> ()
    "tpu.region"() ({
      %run_scoped3A = tpu.sem_alloc : memref<!tpu.dma_semaphore, #tpu.memory_space<semaphore_mem>>
      tpu.enqueue_dma source(%arg4 : memref<10112xf32, #tpu.memory_space<hbm>>) target(%arg9 : memref<10112xf32, #tpu.memory_space<vmem>>) target_semaphore(%run_scoped3A : memref<!tpu.dma_semaphore, #tpu.memory_space<semaphore_mem>>)
      tpu.wait_dma2 semaphore(%run_scoped3A : memref<!tpu.dma_semaphore, #tpu.memory_space<semaphore_mem>>) src(%arg4 : memref<10112xf32, #tpu.memory_space<hbm>>) dst(%arg9 : memref<10112xf32, #tpu.memory_space<vmem>>)
      tpu.yield
    }) : () -> ()
    %scan3A = arith.constant 0 : i32
    %scan3A_1 = arith.constant 0 : i32
    %scan3A_2 = arith.constant 128 : i32
    %scan3A_3 = arith.addi %scan3A_1, %scan3A_2 : i32
    %scan3A_4 = arith.constant 1 : i32
    scf.for %scan3A_37 = %scan3A_1 to %scan3A_3 step %scan3A_4  : i32 {
      %broadcast_in_dim3A = arith.constant 0.000000e+00 : f32
      %broadcast_in_dim3A_38 = vector.broadcast %broadcast_in_dim3A : f32 to vector<16xf32>
      %swap3A = arith.index_cast %scan3A_37 : i32 to index
      %swap3A_39 = arith.constant 0 : index
      %swap3A_40 = tpu.vector_load %arg13[%swap3A, %swap3A_39] {strides = array<i32>} : memref<128x144xf32, #tpu.memory_space<vmem>>, vector<16xf32>,
      tpu.vector_store %arg13[%swap3A, %swap3A_39], %broadcast_in_dim3A_38 {strides = array<i32>} : memref<128x144xf32, #tpu.memory_space<vmem>>, vector<16xf32>,
      %broadcast_in_dim3A_41 = arith.constant 0.000000e+00 : f32
      %broadcast_in_dim3A_42 = vector.broadcast %broadcast_in_dim3A_41 : f32 to vector<16xf32>
      %swap3A_43 = arith.index_cast %scan3A_37 : i32 to index
      %swap3A_44 = arith.constant 16 : index
      %swap3A_45 = tpu.vector_load %arg13[%swap3A_43, %swap3A_44] {strides = array<i32>} : memref<128x144xf32, #tpu.memory_space<vmem>>, vector<16xf32>,
      tpu.vector_store %arg13[%swap3A_43, %swap3A_44], %broadcast_in_dim3A_42 {strides = array<i32>} : memref<128x144xf32, #tpu.memory_space<vmem>>, vector<16xf32>,
      %broadcast_in_dim3A_46 = arith.constant 0.000000e+00 : f32
      %broadcast_in_dim3A_47 = vector.broadcast %broadcast_in_dim3A_46 : f32 to vector<16xf32>
      %swap3A_48 = arith.index_cast %scan3A_37 : i32 to index
      %swap3A_49 = arith.constant 32 : index
      %swap3A_50 = tpu.vector_load %arg13[%swap3A_48, %swap3A_49] {strides = array<i32>} : memref<128x144xf32, #tpu.memory_space<vmem>>, vector<16xf32>,
      tpu.vector_store %arg13[%swap3A_48, %swap3A_49], %broadcast_in_dim3A_47 {strides = array<i32>} : memref<128x144xf32, #tpu.memory_space<vmem>>, vector<16xf32>,
      %broadcast_in_dim3A_51 = arith.constant 0.000000e+00 : f32
      %broadcast_in_dim3A_52 = vector.broadcast %broadcast_in_dim3A_51 : f32 to vector<16xf32>
      %swap3A_53 = arith.index_cast %scan3A_37 : i32 to index
      %swap3A_54 = arith.constant 48 : index
      %swap3A_55 = tpu.vector_load %arg13[%swap3A_53, %swap3A_54] {strides = array<i32>} : memref<128x144xf32, #tpu.memory_space<vmem>>, vector<16xf32>,
      tpu.vector_store %arg13[%swap3A_53, %swap3A_54], %broadcast_in_dim3A_52 {strides = array<i32>} : memref<128x144xf32, #tpu.memory_space<vmem>>, vector<16xf32>,
      %broadcast_in_dim3A_56 = arith.constant 0.000000e+00 : f32
      %broadcast_in_dim3A_57 = vector.broadcast %broadcast_in_dim3A_56 : f32 to vector<16xf32>
      %swap3A_58 = arith.index_cast %scan3A_37 : i32 to index
      %swap3A_59 = arith.constant 64 : index
      %swap3A_60 = tpu.vector_load %arg13[%swap3A_58, %swap3A_59] {strides = array<i32>} : memref<128x144xf32, #tpu.memory_space<vmem>>, vector<16xf32>,
      tpu.vector_store %arg13[%swap3A_58, %swap3A_59], %broadcast_in_dim3A_57 {strides = array<i32>} : memref<128x144xf32, #tpu.memory_space<vmem>>, vector<16xf32>,
      %broadcast_in_dim3A_61 = arith.constant 0.000000e+00 : f32
      %broadcast_in_dim3A_62 = vector.broadcast %broadcast_in_dim3A_61 : f32 to vector<16xf32>
      %swap3A_63 = arith.index_cast %scan3A_37 : i32 to index
      %swap3A_64 = arith.constant 80 : index
      %swap3A_65 = tpu.vector_load %arg13[%swap3A_63, %swap3A_64] {strides = array<i32>} : memref<128x144xf32, #tpu.memory_space<vmem>>, vector<16xf32>,
      tpu.vector_store %arg13[%swap3A_63, %swap3A_64], %broadcast_in_dim3A_62 {strides = array<i32>} : memref<128x144xf32, #tpu.memory_space<vmem>>, vector<16xf32>,
      %broadcast_in_dim3A_66 = arith.constant 0.000000e+00 : f32
      %broadcast_in_dim3A_67 = vector.broadcast %broadcast_in_dim3A_66 : f32 to vector<16xf32>
      %swap3A_68 = arith.index_cast %scan3A_37 : i32 to index
      %swap3A_69 = arith.constant 96 : index
      %swap3A_70 = tpu.vector_load %arg13[%swap3A_68, %swap3A_69] {strides = array<i32>} : memref<128x144xf32, #tpu.memory_space<vmem>>, vector<16xf32>,
      tpu.vector_store %arg13[%swap3A_68, %swap3A_69], %broadcast_in_dim3A_67 {strides = array<i32>} : memref<128x144xf32, #tpu.memory_space<vmem>>, vector<16xf32>,
      %broadcast_in_dim3A_71 = arith.constant 0.000000e+00 : f32
      %broadcast_in_dim3A_72 = vector.broadcast %broadcast_in_dim3A_71 : f32 to vector<16xf32>
      %swap3A_73 = arith.index_cast %scan3A_37 : i32 to index
      %swap3A_74 = arith.constant 112 : index
      %swap3A_75 = tpu.vector_load %arg13[%swap3A_73, %swap3A_74] {strides = array<i32>} : memref<128x144xf32, #tpu.memory_space<vmem>>, vector<16xf32>,
      tpu.vector_store %arg13[%swap3A_73, %swap3A_74], %broadcast_in_dim3A_72 {strides = array<i32>} : memref<128x144xf32, #tpu.memory_space<vmem>>, vector<16xf32>,
      %broadcast_in_dim3A_76 = arith.constant 0.000000e+00 : f32
      %broadcast_in_dim3A_77 = vector.broadcast %broadcast_in_dim3A_76 : f32 to vector<16xf32>
      %swap3A_78 = arith.index_cast %scan3A_37 : i32 to index
      %swap3A_79 = arith.constant 128 : index
      %swap3A_80 = tpu.vector_load %arg13[%swap3A_78, %swap3A_79] {strides = array<i32>} : memref<128x144xf32, #tpu.memory_space<vmem>>, vector<16xf32>,
      tpu.vector_store %arg13[%swap3A_78, %swap3A_79], %broadcast_in_dim3A_77 {strides = array<i32>} : memref<128x144xf32, #tpu.memory_space<vmem>>, vector<16xf32>,
    }
    %scan3A_5 = arith.constant 128 : i32
    %mul3A_6 = arith.constant 632 : i32
    %mul3A_7 = arith.muli %arg1, %mul3A_6 : i32
    %add3A_8 = arith.constant 0 : i32
    %add3A_9 = arith.addi %mul3A_7, %add3A_8 : i32
    "tpu.region"() ({
      %run_scoped3A = tpu.sem_alloc : memref<!tpu.dma_semaphore, #tpu.memory_space<semaphore_mem>>
      %dma_start3A = arith.constant 0 : i32
      %dma_start3A_37 = tpu.memref_slice %arg14[%add3A_9, %dma_start3A] : memref<10112x144xf32, #tpu.memory_space<vmem_shared>> -> memref<128x144xf32, #tpu.memory_space<vmem_shared>>
      %dma_start3A_38 = arith.constant 0 : i32
      %dma_start3A_39 = tpu.memref_slice %arg14[%add3A_9, %dma_start3A_38] : memref<10112x144xf32, #tpu.memory_space<vmem_shared>> -> memref<128x144xf32, #tpu.memory_space<vmem_shared>>
      tpu.enqueue_dma source(%arg13 : memref<128x144xf32, #tpu.memory_space<vmem>>) target(%dma_start3A_39 : memref<128x144xf32, #tpu.memory_space<vmem_shared>>) target_semaphore(%run_scoped3A : memref<!tpu.dma_semaphore, #tpu.memory_space<semaphore_mem>>)
      %dma_wait3A = arith.constant 0 : i32
      %dma_wait3A_40 = tpu.memref_slice %arg14[%add3A_9, %dma_wait3A] : memref<10112x144xf32, #tpu.memory_space<vmem_shared>> -> memref<128x144xf32, #tpu.memory_space<vmem_shared>>
      %dma_wait3A_41 = arith.constant 0 : i32
      %dma_wait3A_42 = tpu.memref_slice %arg14[%add3A_9, %dma_wait3A_41] : memref<10112x144xf32, #tpu.memory_space<vmem_shared>> -> memref<128x144xf32, #tpu.memory_space<vmem_shared>>
      tpu.wait_dma2 semaphore(%run_scoped3A : memref<!tpu.dma_semaphore, #tpu.memory_space<semaphore_mem>>) src(%arg13 : memref<128x144xf32, #tpu.memory_space<vmem>>) dst(%dma_wait3A_42 : memref<128x144xf32, #tpu.memory_space<vmem_shared>>)
      tpu.yield
    }) : () -> ()
    %mul3A_10 = arith.constant 632 : i32
    %mul3A_11 = arith.muli %arg1, %mul3A_10 : i32
    %add3A_12 = arith.constant 128 : i32
    %add3A_13 = arith.addi %mul3A_11, %add3A_12 : i32
    "tpu.region"() ({
      %run_scoped3A = tpu.sem_alloc : memref<!tpu.dma_semaphore, #tpu.memory_space<semaphore_mem>>
      %dma_start3A = arith.constant 0 : i32
      %dma_start3A_37 = tpu.memref_slice %arg14[%add3A_13, %dma_start3A] : memref<10112x144xf32, #tpu.memory_space<vmem_shared>> -> memref<128x144xf32, #tpu.memory_space<vmem_shared>>
      %dma_start3A_38 = arith.constant 0 : i32
      %dma_start3A_39 = tpu.memref_slice %arg14[%add3A_13, %dma_start3A_38] : memref<10112x144xf32, #tpu.memory_space<vmem_shared>> -> memref<128x144xf32, #tpu.memory_space<vmem_shared>>
      tpu.enqueue_dma source(%arg13 : memref<128x144xf32, #tpu.memory_space<vmem>>) target(%dma_start3A_39 : memref<128x144xf32, #tpu.memory_space<vmem_shared>>) target_semaphore(%run_scoped3A : memref<!tpu.dma_semaphore, #tpu.memory_space<semaphore_mem>>)
      %dma_wait3A = arith.constant 0 : i32
      %dma_wait3A_40 = tpu.memref_slice %arg14[%add3A_13, %dma_wait3A] : memref<10112x144xf32, #tpu.memory_space<vmem_shared>> -> memref<128x144xf32, #tpu.memory_space<vmem_shared>>
      %dma_wait3A_41 = arith.constant 0 : i32
      %dma_wait3A_42 = tpu.memref_slice %arg14[%add3A_13, %dma_wait3A_41] : memref<10112x144xf32, #tpu.memory_space<vmem_shared>> -> memref<128x144xf32, #tpu.memory_space<vmem_shared>>
      tpu.wait_dma2 semaphore(%run_scoped3A : memref<!tpu.dma_semaphore, #tpu.memory_space<semaphore_mem>>) src(%arg13 : memref<128x144xf32, #tpu.memory_space<vmem>>) dst(%dma_wait3A_42 : memref<128x144xf32, #tpu.memory_space<vmem_shared>>)
      tpu.yield
    }) : () -> ()
    %mul3A_14 = arith.constant 632 : i32
    %mul3A_15 = arith.muli %arg1, %mul3A_14 : i32
    %add3A_16 = arith.constant 256 : i32
    %add3A_17 = arith.addi %mul3A_15, %add3A_16 : i32
    "tpu.region"() ({
      %run_scoped3A = tpu.sem_alloc : memref<!tpu.dma_semaphore, #tpu.memory_space<semaphore_mem>>
      %dma_start3A = arith.constant 0 : i32
      %dma_start3A_37 = tpu.memref_slice %arg14[%add3A_17, %dma_start3A] : memref<10112x144xf32, #tpu.memory_space<vmem_shared>> -> memref<128x144xf32, #tpu.memory_space<vmem_shared>>
      %dma_start3A_38 = arith.constant 0 : i32
      %dma_start3A_39 = tpu.memref_slice %arg14[%add3A_17, %dma_start3A_38] : memref<10112x144xf32, #tpu.memory_space<vmem_shared>> -> memref<128x144xf32, #tpu.memory_space<vmem_shared>>
      tpu.enqueue_dma source(%arg13 : memref<128x144xf32, #tpu.memory_space<vmem>>) target(%dma_start3A_39 : memref<128x144xf32, #tpu.memory_space<vmem_shared>>) target_semaphore(%run_scoped3A : memref<!tpu.dma_semaphore, #tpu.memory_space<semaphore_mem>>)
      %dma_wait3A = arith.constant 0 : i32
      %dma_wait3A_40 = tpu.memref_slice %arg14[%add3A_17, %dma_wait3A] : memref<10112x144xf32, #tpu.memory_space<vmem_shared>> -> memref<128x144xf32, #tpu.memory_space<vmem_shared>>
      %dma_wait3A_41 = arith.constant 0 : i32
      %dma_wait3A_42 = tpu.memref_slice %arg14[%add3A_17, %dma_wait3A_41] : memref<10112x144xf32, #tpu.memory_space<vmem_shared>> -> memref<128x144xf32, #tpu.memory_space<vmem_shared>>
      tpu.wait_dma2 semaphore(%run_scoped3A : memref<!tpu.dma_semaphore, #tpu.memory_space<semaphore_mem>>) src(%arg13 : memref<128x144xf32, #tpu.memory_space<vmem>>) dst(%dma_wait3A_42 : memref<128x144xf32, #tpu.memory_space<vmem_shared>>)
      tpu.yield
    }) : () -> ()
    %mul3A_18 = arith.constant 632 : i32
    %mul3A_19 = arith.muli %arg1, %mul3A_18 : i32
    %add3A_20 = arith.constant 384 : i32
    %add3A_21 = arith.addi %mul3A_19, %add3A_20 : i32
    "tpu.region"() ({
      %run_scoped3A = tpu.sem_alloc : memref<!tpu.dma_semaphore, #tpu.memory_space<semaphore_mem>>
      %dma_start3A = arith.constant 0 : i32
      %dma_start3A_37 = tpu.memref_slice %arg14[%add3A_21, %dma_start3A] : memref<10112x144xf32, #tpu.memory_space<vmem_shared>> -> memref<128x144xf32, #tpu.memory_space<vmem_shared>>
      %dma_start3A_38 = arith.constant 0 : i32
      %dma_start3A_39 = tpu.memref_slice %arg14[%add3A_21, %dma_start3A_38] : memref<10112x144xf32, #tpu.memory_space<vmem_shared>> -> memref<128x144xf32, #tpu.memory_space<vmem_shared>>
      tpu.enqueue_dma source(%arg13 : memref<128x144xf32, #tpu.memory_space<vmem>>) target(%dma_start3A_39 : memref<128x144xf32, #tpu.memory_space<vmem_shared>>) target_semaphore(%run_scoped3A : memref<!tpu.dma_semaphore, #tpu.memory_space<semaphore_mem>>)
      %dma_wait3A = arith.constant 0 : i32
      %dma_wait3A_40 = tpu.memref_slice %arg14[%add3A_21, %dma_wait3A] : memref<10112x144xf32, #tpu.memory_space<vmem_shared>> -> memref<128x144xf32, #tpu.memory_space<vmem_shared>>
      %dma_wait3A_41 = arith.constant 0 : i32
      %dma_wait3A_42 = tpu.memref_slice %arg14[%add3A_21, %dma_wait3A_41] : memref<10112x144xf32, #tpu.memory_space<vmem_shared>> -> memref<128x144xf32, #tpu.memory_space<vmem_shared>>
      tpu.wait_dma2 semaphore(%run_scoped3A : memref<!tpu.dma_semaphore, #tpu.memory_space<semaphore_mem>>) src(%arg13 : memref<128x144xf32, #tpu.memory_space<vmem>>) dst(%dma_wait3A_42 : memref<128x144xf32, #tpu.memory_space<vmem_shared>>)
      tpu.yield
    }) : () -> ()
    %mul3A_22 = arith.constant 632 : i32
    %mul3A_23 = arith.muli %arg1, %mul3A_22 : i32
    %add3A_24 = arith.constant 512 : i32
    %add3A_25 = arith.addi %mul3A_23, %add3A_24 : i32
    "tpu.region"() ({
      %run_scoped3A = tpu.sem_alloc : memref<!tpu.dma_semaphore, #tpu.memory_space<semaphore_mem>>
      %dma_start3A = arith.constant 0 : i32
      %dma_start3A_37 = arith.constant 0 : i32
      %dma_start3A_38 = tpu.memref_slice %arg13[%dma_start3A, %dma_start3A_37] : memref<128x144xf32, #tpu.memory_space<vmem>> -> memref<120x144xf32, #tpu.memory_space<vmem>>
      %dma_start3A_39 = arith.constant 0 : i32
      %dma_start3A_40 = tpu.memref_slice %arg14[%add3A_25, %dma_start3A_39] : memref<10112x144xf32, #tpu.memory_space<vmem_shared>> -> memref<120x144xf32, #tpu.memory_space<vmem_shared>>
      %dma_start3A_41 = arith.constant 0 : i32
      %dma_start3A_42 = tpu.memref_slice %arg14[%add3A_25, %dma_start3A_41] : memref<10112x144xf32, #tpu.memory_space<vmem_shared>> -> memref<120x144xf32, #tpu.memory_space<vmem_shared>>
      %dma_start3A_43 = arith.constant 0 : i32
      %dma_start3A_44 = arith.constant 0 : i32
      %dma_start3A_45 = tpu.memref_slice %arg13[%dma_start3A_43, %dma_start3A_44] : memref<128x144xf32, #tpu.memory_space<vmem>> -> memref<120x144xf32, #tpu.memory_space<vmem>>
      tpu.enqueue_dma source(%dma_start3A_45 : memref<120x144xf32, #tpu.memory_space<vmem>>) target(%dma_start3A_42 : memref<120x144xf32, #tpu.memory_space<vmem_shared>>) target_semaphore(%run_scoped3A : memref<!tpu.dma_semaphore, #tpu.memory_space<semaphore_mem>>)
      %dma_wait3A = arith.constant 0 : i32
      %dma_wait3A_46 = arith.constant 0 : i32
      %dma_wait3A_47 = tpu.memref_slice %arg13[%dma_wait3A, %dma_wait3A_46] : memref<128x144xf32, #tpu.memory_space<vmem>> -> memref<120x144xf32, #tpu.memory_space<vmem>>
      %dma_wait3A_48 = arith.constant 0 : i32
      %dma_wait3A_49 = tpu.memref_slice %arg14[%add3A_25, %dma_wait3A_48] : memref<10112x144xf32, #tpu.memory_space<vmem_shared>> -> memref<120x144xf32, #tpu.memory_space<vmem_shared>>
      %dma_wait3A_50 = arith.constant 0 : i32
      %dma_wait3A_51 = tpu.memref_slice %arg14[%add3A_25, %dma_wait3A_50] : memref<10112x144xf32, #tpu.memory_space<vmem_shared>> -> memref<120x144xf32, #tpu.memory_space<vmem_shared>>
      %dma_wait3A_52 = arith.constant 0 : i32
      %dma_wait3A_53 = arith.constant 0 : i32
      %dma_wait3A_54 = tpu.memref_slice %arg13[%dma_wait3A_52, %dma_wait3A_53] : memref<128x144xf32, #tpu.memory_space<vmem>> -> memref<120x144xf32, #tpu.memory_space<vmem>>
      tpu.wait_dma2 semaphore(%run_scoped3A : memref<!tpu.dma_semaphore, #tpu.memory_space<semaphore_mem>>) src(%dma_wait3A_54 : memref<120x144xf32, #tpu.memory_space<vmem>>) dst(%dma_wait3A_51 : memref<120x144xf32, #tpu.memory_space<vmem_shared>>)
      tpu.yield
    }) : () -> ()
    %barrier3A = arith.constant 0 : index
    tpu.barrier barrier_id(%barrier3A)
    %scan3A_26 = arith.constant 0 : i32
    %scan3A_27 = arith.constant 0 : i32
    %scan3A_28 = arith.constant 79 : i32
    %scan3A_29 = arith.addi %scan3A_27, %scan3A_28 : i32
    %scan3A_30 = arith.constant 1 : i32
    scf.for %scan3A_37 = %scan3A_27 to %scan3A_29 step %scan3A_30  : i32 {
      %mul3A_38 = arith.constant 10112 : i32
      %mul3A_39 = arith.muli %add3A, %mul3A_38 : i32
      %mul3A_40 = arith.constant 128 : i32
      %mul3A_41 = arith.muli %scan3A_37, %mul3A_40 : i32
      %add3A_42 = arith.addi %mul3A_39, %mul3A_41 : i32
      "tpu.region"() ({
        %run_scoped3A = tpu.sem_alloc : memref<!tpu.dma_semaphore, #tpu.memory_space<semaphore_mem>>
        %dma_start3A_183 = tpu.memref_slice %arg5[%add3A_42] : memref<323584xi32, #tpu.memory_space<hbm>> -> memref<128xi32, #tpu.memory_space<hbm>>
        %dma_start3A_184 = tpu.memref_slice %arg5[%add3A_42] : memref<323584xi32, #tpu.memory_space<hbm>> -> memref<128xi32, #tpu.memory_space<hbm>>
        tpu.enqueue_dma source(%dma_start3A_184 : memref<128xi32, #tpu.memory_space<hbm>>) target(%arg10 : memref<128xi32, #tpu.memory_space<vmem>>) target_semaphore(%run_scoped3A : memref<!tpu.dma_semaphore, #tpu.memory_space<semaphore_mem>>)
        %dma_wait3A_185 = tpu.memref_slice %arg5[%add3A_42] : memref<323584xi32, #tpu.memory_space<hbm>> -> memref<128xi32, #tpu.memory_space<hbm>>
        %dma_wait3A_186 = tpu.memref_slice %arg5[%add3A_42] : memref<323584xi32, #tpu.memory_space<hbm>> -> memref<128xi32, #tpu.memory_space<hbm>>
        tpu.wait_dma2 semaphore(%run_scoped3A : memref<!tpu.dma_semaphore, #tpu.memory_space<semaphore_mem>>) src(%dma_wait3A_186 : memref<128xi32, #tpu.memory_space<hbm>>) dst(%arg10 : memref<128xi32, #tpu.memory_space<vmem>>)
        tpu.yield
      }) : () -> ()
      "tpu.region"() ({
        %run_scoped3A = tpu.sem_alloc : memref<!tpu.dma_semaphore, #tpu.memory_space<semaphore_mem>>
        %dma_start3A_183 = tpu.memref_slice %arg6[%add3A_42] : memref<323584xi32, #tpu.memory_space<hbm>> -> memref<128xi32, #tpu.memory_space<hbm>>
        %dma_start3A_184 = tpu.memref_slice %arg6[%add3A_42] : memref<323584xi32, #tpu.memory_space<hbm>> -> memref<128xi32, #tpu.memory_space<hbm>>
        tpu.enqueue_dma source(%dma_start3A_184 : memref<128xi32, #tpu.memory_space<hbm>>) target(%arg11 : memref<128xi32, #tpu.memory_space<vmem>>) target_semaphore(%run_scoped3A : memref<!tpu.dma_semaphore, #tpu.memory_space<semaphore_mem>>)
        %dma_wait3A_185 = tpu.memref_slice %arg6[%add3A_42] : memref<323584xi32, #tpu.memory_space<hbm>> -> memref<128xi32, #tpu.memory_space<hbm>>
        %dma_wait3A_186 = tpu.memref_slice %arg6[%add3A_42] : memref<323584xi32, #tpu.memory_space<hbm>> -> memref<128xi32, #tpu.memory_space<hbm>>
        tpu.wait_dma2 semaphore(%run_scoped3A : memref<!tpu.dma_semaphore, #tpu.memory_space<semaphore_mem>>) src(%dma_wait3A_186 : memref<128xi32, #tpu.memory_space<hbm>>) dst(%arg11 : memref<128xi32, #tpu.memory_space<vmem>>)
        tpu.yield
      }) : () -> ()
      %get3A = arith.constant 0 : index
      %get3A_43 = tpu.vector_load %arg10[%get3A] {strides = array<i32>} : memref<128xi32, #tpu.memory_space<vmem>>, vector<16xi32>,
      %get3A_44 = arith.constant 0 : index
      %get3A_45 = tpu.vector_load %arg11[%get3A_44] {strides = array<i32>} : memref<128xi32, #tpu.memory_space<vmem>>, vector<16xi32>,
      %gather3A = tpu.vector_load_idx %arg8[%get3A_43] : memref<10112xf32, #tpu.memory_space<vmem>>[vector<16xi32>], vector<16xf32>,
      %gather3A_46 = tpu.vector_load_idx %arg9[%get3A_45] : memref<10112xf32, #tpu.memory_space<vmem>>[vector<16xi32>], vector<16xf32>,
      %add3A_47 = arith.addf %gather3A, %gather3A_46 : vector<16xf32>
      %gt3A = arith.constant 0.000000e+00 : f32
      %gt3A_48 = vector.broadcast %gt3A : f32 to vector<16xf32>
      %gt3A_49 = arith.cmpf ogt, %add3A_47, %gt3A_48 : vector<16xf32>
      %mul3A_50 = arith.constant 2.000000e-01 : f32
      %mul3A_51 = vector.broadcast %mul3A_50 : f32 to vector<16xf32>
      %mul3A_52 = arith.mulf %mul3A_51, %add3A_47 : vector<16xf32>
      %select_n3A = arith.select %gt3A_49, %add3A_47, %mul3A_52 : vector<16xi1>, vector<16xf32>
      %exp3A = math.exp %select_n3A : vector<16xf32>
      %swap3A = arith.constant 0 : index
      %swap3A_53 = tpu.vector_load %arg12[%swap3A] {strides = array<i32>} : memref<128xf32, #tpu.memory_space<vmem>>, vector<16xf32>,
      tpu.vector_store %arg12[%swap3A], %exp3A {strides = array<i32>} : memref<128xf32, #tpu.memory_space<vmem>>, vector<16xf32>,
      %get3A_54 = arith.constant 16 : index
      %get3A_55 = tpu.vector_load %arg10[%get3A_54] {strides = array<i32>} : memref<128xi32, #tpu.memory_space<vmem>>, vector<16xi32>,
      %get3A_56 = arith.constant 16 : index
      %get3A_57 = tpu.vector_load %arg11[%get3A_56] {strides = array<i32>} : memref<128xi32, #tpu.memory_space<vmem>>, vector<16xi32>,
      %gather3A_58 = tpu.vector_load_idx %arg8[%get3A_55] : memref<10112xf32, #tpu.memory_space<vmem>>[vector<16xi32>], vector<16xf32>,
      %gather3A_59 = tpu.vector_load_idx %arg9[%get3A_57] : memref<10112xf32, #tpu.memory_space<vmem>>[vector<16xi32>], vector<16xf32>,
      %add3A_60 = arith.addf %gather3A_58, %gather3A_59 : vector<16xf32>
      %gt3A_61 = arith.constant 0.000000e+00 : f32
      %gt3A_62 = vector.broadcast %gt3A_61 : f32 to vector<16xf32>
      %gt3A_63 = arith.cmpf ogt, %add3A_60, %gt3A_62 : vector<16xf32>
      %mul3A_64 = arith.constant 2.000000e-01 : f32
      %mul3A_65 = vector.broadcast %mul3A_64 : f32 to vector<16xf32>
      %mul3A_66 = arith.mulf %mul3A_65, %add3A_60 : vector<16xf32>
      %select_n3A_67 = arith.select %gt3A_63, %add3A_60, %mul3A_66 : vector<16xi1>, vector<16xf32>
      %exp3A_68 = math.exp %select_n3A_67 : vector<16xf32>
      %swap3A_69 = arith.constant 16 : index
      %swap3A_70 = tpu.vector_load %arg12[%swap3A_69] {strides = array<i32>} : memref<128xf32, #tpu.memory_space<vmem>>, vector<16xf32>,
      tpu.vector_store %arg12[%swap3A_69], %exp3A_68 {strides = array<i32>} : memref<128xf32, #tpu.memory_space<vmem>>, vector<16xf32>,
      %get3A_71 = arith.constant 32 : index
      %get3A_72 = tpu.vector_load %arg10[%get3A_71] {strides = array<i32>} : memref<128xi32, #tpu.memory_space<vmem>>, vector<16xi32>,
      %get3A_73 = arith.constant 32 : index
      %get3A_74 = tpu.vector_load %arg11[%get3A_73] {strides = array<i32>} : memref<128xi32, #tpu.memory_space<vmem>>, vector<16xi32>,
      %gather3A_75 = tpu.vector_load_idx %arg8[%get3A_72] : memref<10112xf32, #tpu.memory_space<vmem>>[vector<16xi32>], vector<16xf32>,
      %gather3A_76 = tpu.vector_load_idx %arg9[%get3A_74] : memref<10112xf32, #tpu.memory_space<vmem>>[vector<16xi32>], vector<16xf32>,
      %add3A_77 = arith.addf %gather3A_75, %gather3A_76 : vector<16xf32>
      %gt3A_78 = arith.constant 0.000000e+00 : f32
      %gt3A_79 = vector.broadcast %gt3A_78 : f32 to vector<16xf32>
      %gt3A_80 = arith.cmpf ogt, %add3A_77, %gt3A_79 : vector<16xf32>
      %mul3A_81 = arith.constant 2.000000e-01 : f32
      %mul3A_82 = vector.broadcast %mul3A_81 : f32 to vector<16xf32>
      %mul3A_83 = arith.mulf %mul3A_82, %add3A_77 : vector<16xf32>
      %select_n3A_84 = arith.select %gt3A_80, %add3A_77, %mul3A_83 : vector<16xi1>, vector<16xf32>
      %exp3A_85 = math.exp %select_n3A_84 : vector<16xf32>
      %swap3A_86 = arith.constant 32 : index
      %swap3A_87 = tpu.vector_load %arg12[%swap3A_86] {strides = array<i32>} : memref<128xf32, #tpu.memory_space<vmem>>, vector<16xf32>,
      tpu.vector_store %arg12[%swap3A_86], %exp3A_85 {strides = array<i32>} : memref<128xf32, #tpu.memory_space<vmem>>, vector<16xf32>,
      %get3A_88 = arith.constant 48 : index
      %get3A_89 = tpu.vector_load %arg10[%get3A_88] {strides = array<i32>} : memref<128xi32, #tpu.memory_space<vmem>>, vector<16xi32>,
      %get3A_90 = arith.constant 48 : index
      %get3A_91 = tpu.vector_load %arg11[%get3A_90] {strides = array<i32>} : memref<128xi32, #tpu.memory_space<vmem>>, vector<16xi32>,
      %gather3A_92 = tpu.vector_load_idx %arg8[%get3A_89] : memref<10112xf32, #tpu.memory_space<vmem>>[vector<16xi32>], vector<16xf32>,
      %gather3A_93 = tpu.vector_load_idx %arg9[%get3A_91] : memref<10112xf32, #tpu.memory_space<vmem>>[vector<16xi32>], vector<16xf32>,
      %add3A_94 = arith.addf %gather3A_92, %gather3A_93 : vector<16xf32>
      %gt3A_95 = arith.constant 0.000000e+00 : f32
      %gt3A_96 = vector.broadcast %gt3A_95 : f32 to vector<16xf32>
      %gt3A_97 = arith.cmpf ogt, %add3A_94, %gt3A_96 : vector<16xf32>
      %mul3A_98 = arith.constant 2.000000e-01 : f32
      %mul3A_99 = vector.broadcast %mul3A_98 : f32 to vector<16xf32>
      %mul3A_100 = arith.mulf %mul3A_99, %add3A_94 : vector<16xf32>
      %select_n3A_101 = arith.select %gt3A_97, %add3A_94, %mul3A_100 : vector<16xi1>, vector<16xf32>
      %exp3A_102 = math.exp %select_n3A_101 : vector<16xf32>
      %swap3A_103 = arith.constant 48 : index
      %swap3A_104 = tpu.vector_load %arg12[%swap3A_103] {strides = array<i32>} : memref<128xf32, #tpu.memory_space<vmem>>, vector<16xf32>,
      tpu.vector_store %arg12[%swap3A_103], %exp3A_102 {strides = array<i32>} : memref<128xf32, #tpu.memory_space<vmem>>, vector<16xf32>,
      %get3A_105 = arith.constant 64 : index
      %get3A_106 = tpu.vector_load %arg10[%get3A_105] {strides = array<i32>} : memref<128xi32, #tpu.memory_space<vmem>>, vector<16xi32>,
      %get3A_107 = arith.constant 64 : index
      %get3A_108 = tpu.vector_load %arg11[%get3A_107] {strides = array<i32>} : memref<128xi32, #tpu.memory_space<vmem>>, vector<16xi32>,
      %gather3A_109 = tpu.vector_load_idx %arg8[%get3A_106] : memref<10112xf32, #tpu.memory_space<vmem>>[vector<16xi32>], vector<16xf32>,
      %gather3A_110 = tpu.vector_load_idx %arg9[%get3A_108] : memref<10112xf32, #tpu.memory_space<vmem>>[vector<16xi32>], vector<16xf32>,
      %add3A_111 = arith.addf %gather3A_109, %gather3A_110 : vector<16xf32>
      %gt3A_112 = arith.constant 0.000000e+00 : f32
      %gt3A_113 = vector.broadcast %gt3A_112 : f32 to vector<16xf32>
      %gt3A_114 = arith.cmpf ogt, %add3A_111, %gt3A_113 : vector<16xf32>
      %mul3A_115 = arith.constant 2.000000e-01 : f32
      %mul3A_116 = vector.broadcast %mul3A_115 : f32 to vector<16xf32>
      %mul3A_117 = arith.mulf %mul3A_116, %add3A_111 : vector<16xf32>
      %select_n3A_118 = arith.select %gt3A_114, %add3A_111, %mul3A_117 : vector<16xi1>, vector<16xf32>
      %exp3A_119 = math.exp %select_n3A_118 : vector<16xf32>
      %swap3A_120 = arith.constant 64 : index
      %swap3A_121 = tpu.vector_load %arg12[%swap3A_120] {strides = array<i32>} : memref<128xf32, #tpu.memory_space<vmem>>, vector<16xf32>,
      tpu.vector_store %arg12[%swap3A_120], %exp3A_119 {strides = array<i32>} : memref<128xf32, #tpu.memory_space<vmem>>, vector<16xf32>,
      %get3A_122 = arith.constant 80 : index
      %get3A_123 = tpu.vector_load %arg10[%get3A_122] {strides = array<i32>} : memref<128xi32, #tpu.memory_space<vmem>>, vector<16xi32>,
      %get3A_124 = arith.constant 80 : index
      %get3A_125 = tpu.vector_load %arg11[%get3A_124] {strides = array<i32>} : memref<128xi32, #tpu.memory_space<vmem>>, vector<16xi32>,
      %gather3A_126 = tpu.vector_load_idx %arg8[%get3A_123] : memref<10112xf32, #tpu.memory_space<vmem>>[vector<16xi32>], vector<16xf32>,
      %gather3A_127 = tpu.vector_load_idx %arg9[%get3A_125] : memref<10112xf32, #tpu.memory_space<vmem>>[vector<16xi32>], vector<16xf32>,
      %add3A_128 = arith.addf %gather3A_126, %gather3A_127 : vector<16xf32>
      %gt3A_129 = arith.constant 0.000000e+00 : f32
      %gt3A_130 = vector.broadcast %gt3A_129 : f32 to vector<16xf32>
      %gt3A_131 = arith.cmpf ogt, %add3A_128, %gt3A_130 : vector<16xf32>
      %mul3A_132 = arith.constant 2.000000e-01 : f32
      %mul3A_133 = vector.broadcast %mul3A_132 : f32 to vector<16xf32>
      %mul3A_134 = arith.mulf %mul3A_133, %add3A_128 : vector<16xf32>
      %select_n3A_135 = arith.select %gt3A_131, %add3A_128, %mul3A_134 : vector<16xi1>, vector<16xf32>
      %exp3A_136 = math.exp %select_n3A_135 : vector<16xf32>
      %swap3A_137 = arith.constant 80 : index
      %swap3A_138 = tpu.vector_load %arg12[%swap3A_137] {strides = array<i32>} : memref<128xf32, #tpu.memory_space<vmem>>, vector<16xf32>,
      tpu.vector_store %arg12[%swap3A_137], %exp3A_136 {strides = array<i32>} : memref<128xf32, #tpu.memory_space<vmem>>, vector<16xf32>,
      %get3A_139 = arith.constant 96 : index
      %get3A_140 = tpu.vector_load %arg10[%get3A_139] {strides = array<i32>} : memref<128xi32, #tpu.memory_space<vmem>>, vector<16xi32>,
      %get3A_141 = arith.constant 96 : index
      %get3A_142 = tpu.vector_load %arg11[%get3A_141] {strides = array<i32>} : memref<128xi32, #tpu.memory_space<vmem>>, vector<16xi32>,
      %gather3A_143 = tpu.vector_load_idx %arg8[%get3A_140] : memref<10112xf32, #tpu.memory_space<vmem>>[vector<16xi32>], vector<16xf32>,
      %gather3A_144 = tpu.vector_load_idx %arg9[%get3A_142] : memref<10112xf32, #tpu.memory_space<vmem>>[vector<16xi32>], vector<16xf32>,
      %add3A_145 = arith.addf %gather3A_143, %gather3A_144 : vector<16xf32>
      %gt3A_146 = arith.constant 0.000000e+00 : f32
      %gt3A_147 = vector.broadcast %gt3A_146 : f32 to vector<16xf32>
      %gt3A_148 = arith.cmpf ogt, %add3A_145, %gt3A_147 : vector<16xf32>
      %mul3A_149 = arith.constant 2.000000e-01 : f32
      %mul3A_150 = vector.broadcast %mul3A_149 : f32 to vector<16xf32>
      %mul3A_151 = arith.mulf %mul3A_150, %add3A_145 : vector<16xf32>
      %select_n3A_152 = arith.select %gt3A_148, %add3A_145, %mul3A_151 : vector<16xi1>, vector<16xf32>
      %exp3A_153 = math.exp %select_n3A_152 : vector<16xf32>
      %swap3A_154 = arith.constant 96 : index
      %swap3A_155 = tpu.vector_load %arg12[%swap3A_154] {strides = array<i32>} : memref<128xf32, #tpu.memory_space<vmem>>, vector<16xf32>,
      tpu.vector_store %arg12[%swap3A_154], %exp3A_153 {strides = array<i32>} : memref<128xf32, #tpu.memory_space<vmem>>, vector<16xf32>,
      %get3A_156 = arith.constant 112 : index
      %get3A_157 = tpu.vector_load %arg10[%get3A_156] {strides = array<i32>} : memref<128xi32, #tpu.memory_space<vmem>>, vector<16xi32>,
      %get3A_158 = arith.constant 112 : index
      %get3A_159 = tpu.vector_load %arg11[%get3A_158] {strides = array<i32>} : memref<128xi32, #tpu.memory_space<vmem>>, vector<16xi32>,
      %gather3A_160 = tpu.vector_load_idx %arg8[%get3A_157] : memref<10112xf32, #tpu.memory_space<vmem>>[vector<16xi32>], vector<16xf32>,
      %gather3A_161 = tpu.vector_load_idx %arg9[%get3A_159] : memref<10112xf32, #tpu.memory_space<vmem>>[vector<16xi32>], vector<16xf32>,
      %add3A_162 = arith.addf %gather3A_160, %gather3A_161 : vector<16xf32>
      %gt3A_163 = arith.constant 0.000000e+00 : f32
      %gt3A_164 = vector.broadcast %gt3A_163 : f32 to vector<16xf32>
      %gt3A_165 = arith.cmpf ogt, %add3A_162, %gt3A_164 : vector<16xf32>
      %mul3A_166 = arith.constant 2.000000e-01 : f32
      %mul3A_167 = vector.broadcast %mul3A_166 : f32 to vector<16xf32>
      %mul3A_168 = arith.mulf %mul3A_167, %add3A_162 : vector<16xf32>
      %select_n3A_169 = arith.select %gt3A_165, %add3A_162, %mul3A_168 : vector<16xi1>, vector<16xf32>
      %exp3A_170 = math.exp %select_n3A_169 : vector<16xf32>
      %swap3A_171 = arith.constant 112 : index
      %swap3A_172 = tpu.vector_load %arg12[%swap3A_171] {strides = array<i32>} : memref<128xf32, #tpu.memory_space<vmem>>, vector<16xf32>,
      tpu.vector_store %arg12[%swap3A_171], %exp3A_170 {strides = array<i32>} : memref<128xf32, #tpu.memory_space<vmem>>, vector<16xf32>,
      %dma_start3A = arith.constant 0 : i32
      %dma_start3A_173 = arith.constant 0 : i32
      %dma_start3A_174 = tpu.memref_slice %arg2[%dma_start3A, %dma_start3A_173] : memref<10112x144xf32, #tpu.memory_space<hbm>> -> memref<10112x144xf32, #tpu.memory_space<hbm>>
      tpu.enqueue_indirect_dma source(%dma_start3A_174 : memref<10112x144xf32, #tpu.memory_space<hbm>>) target(%arg13 : memref<128x144xf32, #tpu.memory_space<vmem>>) offsets(%arg10 : memref<128xi32, #tpu.memory_space<vmem>>) semaphore(%arg15 : memref<!tpu.dma_semaphore, #tpu.memory_space<semaphore_mem>>)
      %dma_wait3A = arith.constant 0 : i32
      %dma_wait3A_175 = arith.constant 0 : i32
      %dma_wait3A_176 = tpu.memref_slice %arg2[%dma_wait3A, %dma_wait3A_175] : memref<10112x144xf32, #tpu.memory_space<hbm>> -> memref<10112x144xf32, #tpu.memory_space<hbm>>
      tpu.wait_indirect_dma semaphore(%arg15 : memref<!tpu.dma_semaphore, #tpu.memory_space<semaphore_mem>>) src(%dma_wait3A_176 : memref<10112x144xf32, #tpu.memory_space<hbm>>) dst(%arg13 : memref<128x144xf32, #tpu.memory_space<vmem>>)
      %scan3A_177 = arith.constant 0 : i32
      %scan3A_178 = arith.constant 0 : i32
      %scan3A_179 = arith.constant 128 : i32
      %scan3A_180 = arith.addi %scan3A_178, %scan3A_179 : i32
      %scan3A_181 = arith.constant 1 : i32
      scf.for %scan3A_183 = %scan3A_178 to %scan3A_180 step %scan3A_181  : i32 {
        %broadcast_in_dim3A = arith.constant 0 : i32
        %broadcast_in_dim3A_184 = vector.broadcast %broadcast_in_dim3A : i32 to vector<16xi32>
        %add3A_185 = vector.broadcast %scan3A_183 : i32 to vector<16xi32>
        %add3A_186 = arith.addi %broadcast_in_dim3A_184, %add3A_185 : vector<16xi32>
        %gather3A_187 = tpu.vector_load_idx %arg12[%add3A_186] : memref<128xf32, #tpu.memory_space<vmem>>[vector<16xi32>], vector<16xf32>,
        %get3A_188 = arith.index_cast %scan3A_183 : i32 to index
        %get3A_189 = arith.constant 0 : index
        %get3A_190 = tpu.vector_load %arg13[%get3A_188, %get3A_189] {strides = array<i32>} : memref<128x144xf32, #tpu.memory_space<vmem>>, vector<16xf32>,
        %mul3A_191 = arith.mulf %get3A_190, %gather3A_187 : vector<16xf32>
        %swap3A_192 = arith.index_cast %scan3A_183 : i32 to index
        %swap3A_193 = arith.constant 0 : index
        %swap3A_194 = tpu.vector_load %arg13[%swap3A_192, %swap3A_193] {strides = array<i32>} : memref<128x144xf32, #tpu.memory_space<vmem>>, vector<16xf32>,
        tpu.vector_store %arg13[%swap3A_192, %swap3A_193], %mul3A_191 {strides = array<i32>} : memref<128x144xf32, #tpu.memory_space<vmem>>, vector<16xf32>,
        %get3A_195 = arith.index_cast %scan3A_183 : i32 to index
        %get3A_196 = arith.constant 16 : index
        %get3A_197 = tpu.vector_load %arg13[%get3A_195, %get3A_196] {strides = array<i32>} : memref<128x144xf32, #tpu.memory_space<vmem>>, vector<16xf32>,
        %mul3A_198 = arith.mulf %get3A_197, %gather3A_187 : vector<16xf32>
        %swap3A_199 = arith.index_cast %scan3A_183 : i32 to index
        %swap3A_200 = arith.constant 16 : index
        %swap3A_201 = tpu.vector_load %arg13[%swap3A_199, %swap3A_200] {strides = array<i32>} : memref<128x144xf32, #tpu.memory_space<vmem>>, vector<16xf32>,
        tpu.vector_store %arg13[%swap3A_199, %swap3A_200], %mul3A_198 {strides = array<i32>} : memref<128x144xf32, #tpu.memory_space<vmem>>, vector<16xf32>,
        %get3A_202 = arith.index_cast %scan3A_183 : i32 to index
        %get3A_203 = arith.constant 32 : index
        %get3A_204 = tpu.vector_load %arg13[%get3A_202, %get3A_203] {strides = array<i32>} : memref<128x144xf32, #tpu.memory_space<vmem>>, vector<16xf32>,
        %mul3A_205 = arith.mulf %get3A_204, %gather3A_187 : vector<16xf32>
        %swap3A_206 = arith.index_cast %scan3A_183 : i32 to index
        %swap3A_207 = arith.constant 32 : index
        %swap3A_208 = tpu.vector_load %arg13[%swap3A_206, %swap3A_207] {strides = array<i32>} : memref<128x144xf32, #tpu.memory_space<vmem>>, vector<16xf32>,
        tpu.vector_store %arg13[%swap3A_206, %swap3A_207], %mul3A_205 {strides = array<i32>} : memref<128x144xf32, #tpu.memory_space<vmem>>, vector<16xf32>,
        %get3A_209 = arith.index_cast %scan3A_183 : i32 to index
        %get3A_210 = arith.constant 48 : index
        %get3A_211 = tpu.vector_load %arg13[%get3A_209, %get3A_210] {strides = array<i32>} : memref<128x144xf32, #tpu.memory_space<vmem>>, vector<16xf32>,
        %mul3A_212 = arith.mulf %get3A_211, %gather3A_187 : vector<16xf32>
        %swap3A_213 = arith.index_cast %scan3A_183 : i32 to index
        %swap3A_214 = arith.constant 48 : index
        %swap3A_215 = tpu.vector_load %arg13[%swap3A_213, %swap3A_214] {strides = array<i32>} : memref<128x144xf32, #tpu.memory_space<vmem>>, vector<16xf32>,
        tpu.vector_store %arg13[%swap3A_213, %swap3A_214], %mul3A_212 {strides = array<i32>} : memref<128x144xf32, #tpu.memory_space<vmem>>, vector<16xf32>,
        %get3A_216 = arith.index_cast %scan3A_183 : i32 to index
        %get3A_217 = arith.constant 64 : index
        %get3A_218 = tpu.vector_load %arg13[%get3A_216, %get3A_217] {strides = array<i32>} : memref<128x144xf32, #tpu.memory_space<vmem>>, vector<16xf32>,
        %mul3A_219 = arith.mulf %get3A_218, %gather3A_187 : vector<16xf32>
        %swap3A_220 = arith.index_cast %scan3A_183 : i32 to index
        %swap3A_221 = arith.constant 64 : index
        %swap3A_222 = tpu.vector_load %arg13[%swap3A_220, %swap3A_221] {strides = array<i32>} : memref<128x144xf32, #tpu.memory_space<vmem>>, vector<16xf32>,
        tpu.vector_store %arg13[%swap3A_220, %swap3A_221], %mul3A_219 {strides = array<i32>} : memref<128x144xf32, #tpu.memory_space<vmem>>, vector<16xf32>,
        %get3A_223 = arith.index_cast %scan3A_183 : i32 to index
        %get3A_224 = arith.constant 80 : index
        %get3A_225 = tpu.vector_load %arg13[%get3A_223, %get3A_224] {strides = array<i32>} : memref<128x144xf32, #tpu.memory_space<vmem>>, vector<16xf32>,
        %mul3A_226 = arith.mulf %get3A_225, %gather3A_187 : vector<16xf32>
        %swap3A_227 = arith.index_cast %scan3A_183 : i32 to index
        %swap3A_228 = arith.constant 80 : index
        %swap3A_229 = tpu.vector_load %arg13[%swap3A_227, %swap3A_228] {strides = array<i32>} : memref<128x144xf32, #tpu.memory_space<vmem>>, vector<16xf32>,
        tpu.vector_store %arg13[%swap3A_227, %swap3A_228], %mul3A_226 {strides = array<i32>} : memref<128x144xf32, #tpu.memory_space<vmem>>, vector<16xf32>,
        %get3A_230 = arith.index_cast %scan3A_183 : i32 to index
        %get3A_231 = arith.constant 96 : index
        %get3A_232 = tpu.vector_load %arg13[%get3A_230, %get3A_231] {strides = array<i32>} : memref<128x144xf32, #tpu.memory_space<vmem>>, vector<16xf32>,
        %mul3A_233 = arith.mulf %get3A_232, %gather3A_187 : vector<16xf32>
        %swap3A_234 = arith.index_cast %scan3A_183 : i32 to index
        %swap3A_235 = arith.constant 96 : index
        %swap3A_236 = tpu.vector_load %arg13[%swap3A_234, %swap3A_235] {strides = array<i32>} : memref<128x144xf32, #tpu.memory_space<vmem>>, vector<16xf32>,
        tpu.vector_store %arg13[%swap3A_234, %swap3A_235], %mul3A_233 {strides = array<i32>} : memref<128x144xf32, #tpu.memory_space<vmem>>, vector<16xf32>,
        %get3A_237 = arith.index_cast %scan3A_183 : i32 to index
        %get3A_238 = arith.constant 112 : index
        %get3A_239 = tpu.vector_load %arg13[%get3A_237, %get3A_238] {strides = array<i32>} : memref<128x144xf32, #tpu.memory_space<vmem>>, vector<16xf32>,
        %mul3A_240 = arith.mulf %get3A_239, %gather3A_187 : vector<16xf32>
        %swap3A_241 = arith.index_cast %scan3A_183 : i32 to index
        %swap3A_242 = arith.constant 112 : index
        %swap3A_243 = tpu.vector_load %arg13[%swap3A_241, %swap3A_242] {strides = array<i32>} : memref<128x144xf32, #tpu.memory_space<vmem>>, vector<16xf32>,
        tpu.vector_store %arg13[%swap3A_241, %swap3A_242], %mul3A_240 {strides = array<i32>} : memref<128x144xf32, #tpu.memory_space<vmem>>, vector<16xf32>,
        %get3A_244 = arith.index_cast %scan3A_183 : i32 to index
        %get3A_245 = arith.constant 128 : index
        %get3A_246 = tpu.vector_load %arg13[%get3A_244, %get3A_245] {strides = array<i32>} : memref<128x144xf32, #tpu.memory_space<vmem>>, vector<16xf32>,
        %mul3A_247 = arith.mulf %get3A_246, %gather3A_187 : vector<16xf32>
        %swap3A_248 = arith.index_cast %scan3A_183 : i32 to index
        %swap3A_249 = arith.constant 128 : index
        %swap3A_250 = tpu.vector_load %arg13[%swap3A_248, %swap3A_249] {strides = array<i32>} : memref<128x144xf32, #tpu.memory_space<vmem>>, vector<16xf32>,
        tpu.vector_store %arg13[%swap3A_248, %swap3A_249], %mul3A_247 {strides = array<i32>} : memref<128x144xf32, #tpu.memory_space<vmem>>, vector<16xf32>,
      }
      %scan3A_182 = arith.constant 128 : i32
      "tpu.region"() ({
        %run_scoped3A = tpu.sem_alloc : memref<!tpu.dma_semaphore, #tpu.memory_space<semaphore_mem>>
        %dma_start3A_183 = arith.constant 0 : i32
        %dma_start3A_184 = arith.constant 0 : i32
        %dma_start3A_185 = tpu.memref_slice %arg14[%dma_start3A_183, %dma_start3A_184] : memref<10112x144xf32, #tpu.memory_space<vmem_shared>> -> memref<10112x144xf32, #tpu.memory_space<vmem_shared>>
        tpu.enqueue_indirect_dma source(%arg13 : memref<128x144xf32, #tpu.memory_space<vmem>>) target(%dma_start3A_185 : memref<10112x144xf32, #tpu.memory_space<vmem_shared>>) offsets(%arg11 : memref<128xi32, #tpu.memory_space<vmem>>) semaphore(%run_scoped3A : memref<!tpu.dma_semaphore, #tpu.memory_space<semaphore_mem>>) {add = true}
        %dma_wait3A_186 = arith.constant 0 : i32
        %dma_wait3A_187 = arith.constant 0 : i32
        %dma_wait3A_188 = tpu.memref_slice %arg14[%dma_wait3A_186, %dma_wait3A_187] : memref<10112x144xf32, #tpu.memory_space<vmem_shared>> -> memref<10112x144xf32, #tpu.memory_space<vmem_shared>>
        tpu.wait_indirect_dma semaphore(%run_scoped3A : memref<!tpu.dma_semaphore, #tpu.memory_space<semaphore_mem>>) src(%arg13 : memref<128x144xf32, #tpu.memory_space<vmem>>) dst(%dma_wait3A_188 : memref<10112x144xf32, #tpu.memory_space<vmem_shared>>)
        tpu.yield
      }) : () -> ()
    }
    %scan3A_31 = arith.constant 79 : i32
    %barrier3A_32 = arith.constant 0 : index
    tpu.barrier barrier_id(%barrier3A_32)
    %mul3A_33 = arith.constant 632 : i32
    %mul3A_34 = arith.muli %arg1, %mul3A_33 : i32
    %mul3A_35 = arith.constant 632 : i32
    %mul3A_36 = arith.muli %arg1, %mul3A_35 : i32
    "tpu.region"() ({
      %run_scoped3A = tpu.sem_alloc : memref<!tpu.dma_semaphore, #tpu.memory_space<semaphore_mem>>
      %dma_start3A = arith.constant 0 : i32
      %dma_start3A_37 = tpu.memref_slice %arg7[%arg0, %mul3A_36, %dma_start3A] : memref<2x10112x144xf32, #tpu.memory_space<hbm>> -> memref<1x632x144xf32, #tpu.memory_space<hbm>>
      %dma_start3A_38 = tpu.memref_squeeze %dma_start3A_37 : memref<1x632x144xf32, #tpu.memory_space<hbm>> -> memref<632x144xf32, #tpu.memory_space<hbm>>
      %dma_start3A_39 = arith.constant 0 : i32
      %dma_start3A_40 = tpu.memref_slice %arg14[%mul3A_34, %dma_start3A_39] : memref<10112x144xf32, #tpu.memory_space<vmem_shared>> -> memref<632x144xf32, #tpu.memory_space<vmem_shared>>
      tpu.enqueue_dma source(%dma_start3A_40 : memref<632x144xf32, #tpu.memory_space<vmem_shared>>) target(%dma_start3A_38 : memref<632x144xf32, #tpu.memory_space<hbm>>) target_semaphore(%run_scoped3A : memref<!tpu.dma_semaphore, #tpu.memory_space<semaphore_mem>>)
      %dma_wait3A = arith.constant 0 : i32
      %dma_wait3A_41 = tpu.memref_slice %arg7[%arg0, %mul3A_36, %dma_wait3A] : memref<2x10112x144xf32, #tpu.memory_space<hbm>> -> memref<1x632x144xf32, #tpu.memory_space<hbm>>
      %dma_wait3A_42 = tpu.memref_squeeze %dma_wait3A_41 : memref<1x632x144xf32, #tpu.memory_space<hbm>> -> memref<632x144xf32, #tpu.memory_space<hbm>>
      %dma_wait3A_43 = arith.constant 0 : i32
      %dma_wait3A_44 = tpu.memref_slice %arg14[%mul3A_34, %dma_wait3A_43] : memref<10112x144xf32, #tpu.memory_space<vmem_shared>> -> memref<632x144xf32, #tpu.memory_space<vmem_shared>>
      tpu.wait_dma2 semaphore(%run_scoped3A : memref<!tpu.dma_semaphore, #tpu.memory_space<semaphore_mem>>) src(%dma_wait3A_44 : memref<632x144xf32, #tpu.memory_space<vmem_shared>>) dst(%dma_wait3A_42 : memref<632x144xf32, #tpu.memory_space<hbm>>)
      tpu.yield
    }) : () -> ()
    return
  }
}

module attributes {stable_mosaic.version = 14 : i64} {
  func.func @_proj_body(%arg0: i32, %arg1: memref<632x128xf32, #tpu.memory_space<vmem>>, %arg2: memref<128x128xf32, #tpu.memory_space<vmem>>, %arg3: memref<1x128xf32, #tpu.memory_space<vmem>>, %arg4: memref<1x128xf32, #tpu.memory_space<vmem>>, %arg5: memref<632x144xf32, #tpu.memory_space<vmem>>, %arg6: memref<1x1x632xf32, #tpu.memory_space<vmem>>, %arg7: memref<1x1x632xf32, #tpu.memory_space<vmem>>) attributes {dimension_semantics = [#tpu.dimension_semantics<arbitrary>], iteration_bounds = array<i64: 16>, scalar_prefetch = 0 : i64, scratch_operands = 0 : i64, tpu.core_type = #tpu.core_type<tc>, window_params = [{transform_indices = @transform_0, window_bounds = array<i64: 632, 128>}, {pipeline_mode = #tpu.pipeline_mode<synchronous>, transform_indices = @transform_1, window_bounds = array<i64: 128, 128>}, {pipeline_mode = #tpu.pipeline_mode<synchronous>, transform_indices = @transform_2, window_bounds = array<i64: 1, 128>}, {pipeline_mode = #tpu.pipeline_mode<synchronous>, transform_indices = @transform_3, window_bounds = array<i64: 1, 128>}, {transform_indices = @transform_4, window_bounds = array<i64: 632, 144>}, {transform_indices = @transform_5, window_bounds = array<i64: 1, 1, 632>}, {transform_indices = @transform_6, window_bounds = array<i64: 1, 1, 632>}]} {
    %get3A = arith.constant 0 : index
    %get3A_0 = arith.constant 0 : index
    %get3A_1 = vector.load %arg1[%get3A, %get3A_0] : memref<632x128xf32, #tpu.memory_space<vmem>>, vector<632x128xf32>
    %get3A_2 = arith.constant 0 : index
    %get3A_3 = arith.constant 0 : index
    %get3A_4 = vector.load %arg2[%get3A_2, %get3A_3] : memref<128x128xf32, #tpu.memory_space<vmem>>, vector<128x128xf32>
    %dot_general3A = arith.constant dense<0.000000e+00> : vector<632x128xf32>
    %dot_general3A_5 = tpu.matmul %get3A_1, %get3A_4, %dot_general3A {dimension_numbers = #tpu.dot_dimension_numbers<[1], [1], [0], [0], [0, 0, 1, 0], [], []>, transpose_lhs_hint = false} : vector<632x128xf32>, vector<128x128xf32>, vector<632x128xf32> -> vector<632x128xf32>
    %iota3A = tpu.iota {dimensions = array<i32: 1>} : vector<632x16xi32>
    %eq3A = arith.constant 0 : i32
    %eq3A_6 = vector.broadcast %eq3A : i32 to vector<632x16xi32>
    %eq3A_7 = arith.cmpi eq, %iota3A, %eq3A_6 : vector<632x16xi32>
    %jit3A = arith.constant 1.000000e+00 : f32
    %jit3A_8 = arith.constant 0.000000e+00 : f32
    %broadcast_in_dim3A = vector.broadcast %jit3A : f32 to vector<632x16xf32>
    %broadcast_in_dim3A_9 = vector.broadcast %jit3A_8 : f32 to vector<632x16xf32>
    %select_n3A = arith.select %eq3A_7, %broadcast_in_dim3A, %broadcast_in_dim3A_9 : vector<632x16xi1>, vector<632x16xf32>
    %concatenate3A = tpu.concatenate %dot_general3A_5, %select_n3A in 1 : vector<632x128xf32>, vector<632x16xf32> -> vector<632x144xf32>
    %swap3A = arith.constant 0 : index
    %swap3A_10 = arith.constant 0 : index
    %swap3A_11 = vector.load %arg5[%swap3A, %swap3A_10] : memref<632x144xf32, #tpu.memory_space<vmem>>, vector<632x144xf32>
    tpu.vector_store %arg5[%swap3A, %swap3A_10], %concatenate3A {strides = array<i32>} : memref<632x144xf32, #tpu.memory_space<vmem>>, vector<632x144xf32>,
    %get3A_12 = arith.constant 0 : index
    %get3A_13 = arith.constant 0 : index
    %get3A_14 = vector.load %arg3[%get3A_12, %get3A_13] : memref<1x128xf32, #tpu.memory_space<vmem>>, vector<1x128xf32>
    %mul3A = vector.broadcast %get3A_14 : vector<1x128xf32> to vector<632x128xf32>
    %mul3A_15 = arith.mulf %dot_general3A_5, %mul3A : vector<632x128xf32>
    %reduce_sum3A = arith.constant dense<0.000000e+00> : vector<632xf32>
    %reduce_sum3A_16 = vector.multi_reduction <add>, %mul3A_15, %reduce_sum3A [1] : vector<632x128xf32> to vector<632xf32>
    %swap3A_17 = arith.constant 0 : index
    %swap3A_18 = arith.constant 0 : index
    %swap3A_19 = arith.constant 0 : index
    %swap3A_20 = vector.load %arg6[%swap3A_17, %swap3A_18, %swap3A_19] : memref<1x1x632xf32, #tpu.memory_space<vmem>>, vector<1x1x632xf32>
    %swap3A_21 = vector.shape_cast %swap3A_20 : vector<1x1x632xf32> to vector<632xf32>
    %swap3A_22 = vector.shape_cast %reduce_sum3A_16 : vector<632xf32> to vector<1x1x632xf32>
    tpu.vector_store %arg6[%swap3A_17, %swap3A_18, %swap3A_19], %swap3A_22 {strides = array<i32>} : memref<1x1x632xf32, #tpu.memory_space<vmem>>, vector<1x1x632xf32>,
    %get3A_23 = arith.constant 0 : index
    %get3A_24 = arith.constant 0 : index
    %get3A_25 = vector.load %arg4[%get3A_23, %get3A_24] : memref<1x128xf32, #tpu.memory_space<vmem>>, vector<1x128xf32>
    %mul3A_26 = vector.broadcast %get3A_25 : vector<1x128xf32> to vector<632x128xf32>
    %mul3A_27 = arith.mulf %dot_general3A_5, %mul3A_26 : vector<632x128xf32>
    %reduce_sum3A_28 = arith.constant dense<0.000000e+00> : vector<632xf32>
    %reduce_sum3A_29 = vector.multi_reduction <add>, %mul3A_27, %reduce_sum3A_28 [1] : vector<632x128xf32> to vector<632xf32>
    %swap3A_30 = arith.constant 0 : index
    %swap3A_31 = arith.constant 0 : index
    %swap3A_32 = arith.constant 0 : index
    %swap3A_33 = vector.load %arg7[%swap3A_30, %swap3A_31, %swap3A_32] : memref<1x1x632xf32, #tpu.memory_space<vmem>>, vector<1x1x632xf32>
    %swap3A_34 = vector.shape_cast %swap3A_33 : vector<1x1x632xf32> to vector<632xf32>
    %swap3A_35 = vector.shape_cast %reduce_sum3A_29 : vector<632xf32> to vector<1x1x632xf32>
    tpu.vector_store %arg7[%swap3A_30, %swap3A_31, %swap3A_32], %swap3A_35 {strides = array<i32>} : memref<1x1x632xf32, #tpu.memory_space<vmem>>, vector<1x1x632xf32>,
    return
  }
  func.func @transform_0(%arg0: i32) -> (i32, i32) {
    %c0_i32 = arith.constant 0 : i32
    %c0_i32_0 = arith.constant 0 : i32
    return %arg0, %c0_i32 : i32, i32
  }
  func.func @transform_1(%arg0: i32) -> (i32, i32) {
    %c0_i32 = arith.constant 0 : i32
    %c0_i32_0 = arith.constant 0 : i32
    %c0_i32_1 = arith.constant 0 : i32
    return %c0_i32, %c0_i32_0 : i32, i32
  }
  func.func @transform_2(%arg0: i32) -> (i32, i32) {
    %c0_i32 = arith.constant 0 : i32
    %c0_i32_0 = arith.constant 0 : i32
    %c0_i32_1 = arith.constant 0 : i32
    return %c0_i32, %c0_i32_0 : i32, i32
  }
  func.func @transform_3(%arg0: i32) -> (i32, i32) {
    %c0_i32 = arith.constant 0 : i32
    %c0_i32_0 = arith.constant 0 : i32
    %c0_i32_1 = arith.constant 0 : i32
    return %c0_i32, %c0_i32_0 : i32, i32
  }
  func.func @transform_4(%arg0: i32) -> (i32, i32) {
    %c0_i32 = arith.constant 0 : i32
    %c0_i32_0 = arith.constant 0 : i32
    return %arg0, %c0_i32 : i32, i32
  }
  func.func @transform_5(%arg0: i32) -> (i32, i32, i32) {
    %c0_i32 = arith.constant 0 : i32
    %c0_i32_0 = arith.constant 0 : i32
    %c0_i32_1 = arith.constant 0 : i32
    return %arg0, %c0_i32, %c0_i32_0 : i32, i32, i32
  }
  func.func @transform_6(%arg0: i32) -> (i32, i32, i32) {
    %c0_i32 = arith.constant 0 : i32
    %c0_i32_0 = arith.constant 0 : i32
    %c0_i32_1 = arith.constant 0 : i32
    return %arg0, %c0_i32, %c0_i32_0 : i32, i32, i32
  }
}

module attributes {stable_mosaic.version = 14 : i64} {
  func.func @_combine_body(%arg0: i32, %arg1: memref<80x144xf32, #tpu.memory_space<vmem>>, %arg2: memref<80x144xf32, #tpu.memory_space<vmem>>, %arg3: memref<80x128xf32, #tpu.memory_space<vmem>>) attributes {dimension_semantics = [#tpu.dimension_semantics<arbitrary>], iteration_bounds = array<i64: 125>, scalar_prefetch = 0 : i64, scratch_operands = 0 : i64, tpu.core_type = #tpu.core_type<tc>, window_params = [{transform_indices = @transform_0, window_bounds = array<i64: 80, 144>}, {transform_indices = @transform_1, window_bounds = array<i64: 80, 144>}, {transform_indices = @transform_2, window_bounds = array<i64: 80, 128>}]} {
    %get3A = arith.constant 0 : index
    %get3A_0 = arith.constant 0 : index
    %get3A_1 = vector.load %arg1[%get3A, %get3A_0] : memref<80x144xf32, #tpu.memory_space<vmem>>, vector<80x144xf32>
    %get3A_2 = arith.constant 0 : index
    %get3A_3 = arith.constant 0 : index
    %get3A_4 = vector.load %arg2[%get3A_2, %get3A_3] : memref<80x144xf32, #tpu.memory_space<vmem>>, vector<80x144xf32>
    %add3A = arith.addf %get3A_1, %get3A_4 : vector<80x144xf32>
    %iota3A = tpu.iota {dimensions = array<i32: 1>} : vector<80x144xi32>
    %eq3A = arith.constant 128 : i32
    %eq3A_5 = vector.broadcast %eq3A : i32 to vector<80x144xi32>
    %eq3A_6 = arith.cmpi eq, %iota3A, %eq3A_5 : vector<80x144xi32>
    %jit3A = arith.constant 0.000000e+00 : f32
    %broadcast_in_dim3A = vector.broadcast %jit3A : f32 to vector<80x144xf32>
    %select_n3A = arith.select %eq3A_6, %add3A, %broadcast_in_dim3A : vector<80x144xi1>, vector<80x144xf32>
    %reduce_sum3A = arith.constant dense<0.000000e+00> : vector<80xf32>
    %reduce_sum3A_7 = vector.multi_reduction <add>, %select_n3A, %reduce_sum3A [1] : vector<80x144xf32> to vector<80xf32>
    %broadcast_in_dim3A_8 = vector.shape_cast %reduce_sum3A_7 : vector<80xf32> to vector<80x1xf32>
    %slice3A = vector.extract_strided_slice %add3A {offsets = [0, 0], sizes = [80, 128], strides = [1, 1]} : vector<80x144xf32> to vector<80x128xf32>
    %gt3A = arith.constant 0.000000e+00 : f32
    %gt3A_9 = vector.broadcast %gt3A : f32 to vector<80x1xf32>
    %gt3A_10 = arith.cmpf ogt, %broadcast_in_dim3A_8, %gt3A_9 : vector<80x1xf32>
    %div3A = vector.broadcast %broadcast_in_dim3A_8 : vector<80x1xf32> to vector<80x128xf32>
    %div3A_11 = arith.divf %slice3A, %div3A : vector<80x128xf32>
    %jit3A_12 = arith.constant 0.000000e+00 : f32
    %broadcast_in_dim3A_13 = vector.shape_cast %gt3A_10 : vector<80x1xi1> to vector<80x1xi1>
    %broadcast_in_dim3A_14 = vector.broadcast %broadcast_in_dim3A_13 : vector<80x1xi1> to vector<80x128xi1>
    %broadcast_in_dim3A_15 = vector.broadcast %jit3A_12 : f32 to vector<80x128xf32>
    %select_n3A_16 = arith.select %broadcast_in_dim3A_14, %div3A_11, %broadcast_in_dim3A_15 : vector<80x128xi1>, vector<80x128xf32>
    %swap3A = arith.constant 0 : index
    %swap3A_17 = arith.constant 0 : index
    %swap3A_18 = vector.load %arg3[%swap3A, %swap3A_17] : memref<80x128xf32, #tpu.memory_space<vmem>>, vector<80x128xf32>
    tpu.vector_store %arg3[%swap3A, %swap3A_17], %select_n3A_16 {strides = array<i32>} : memref<80x128xf32, #tpu.memory_space<vmem>>, vector<80x128xf32>,
    return
  }
  func.func @transform_0(%arg0: i32) -> (i32, i32) {
    %c0_i32 = arith.constant 0 : i32
    %c0_i32_0 = arith.constant 0 : i32
    return %arg0, %c0_i32 : i32, i32
  }
  func.func @transform_1(%arg0: i32) -> (i32, i32) {
    %c0_i32 = arith.constant 0 : i32
    %c0_i32_0 = arith.constant 0 : i32
    return %arg0, %c0_i32 : i32, i32
  }
  func.func @transform_2(%arg0: i32) -> (i32, i32) {
    %c0_i32 = arith.constant 0 : i32
    %c0_i32_0 = arith.constant 0 : i32
    return %arg0, %c0_i32 : i32, i32
  }
}

</mosaic_0001>

<sc_bundles>
// kernel: kernel.5.cloned.1.call-start
scs
__scs_entry_jumppad:
0x0: {  	(pc) =	sbr.rel $0x88, $3  }
0x1: {  	(tag) =	ssettag $0x0;
	lr =	simm.s32 $0x1  }
0x2: {  	[smem:$0x3F9C] =	sst lr;
	_ =	strace $0xD0000000  }
0x3: {  	_ = 	snop  }
0x4: {  	_ = 	snop  }
0x5: {  	_ = 	snop  }
0x6: {  	_ = 	snop  }
0x7: {  	_ = 	snop  }
__scs_overlays_trampoline_lowered:
0x8: {  	[smem:$0x3FAB] =	sst s0  }
0x9: {  	[smem:$0x3FAC] =	sst s1  }
0xa: {  	[smem:$0x3FAD] =	sst s2  }
0xb: {  	[smem:$0x3FAE] =	sst s3  }
0xc: {  	[smem:$0x3FAF] =	sst s4  }
0xd: {  	[smem:$0x3FB0] =	sst s5  }
0xe: {  	[smem:$0x3FB1] =	sst s6  }
0xf: {  	[smem:$0x3FB2] =	sst s7  }
0x10: {  	[smem:$0x3FB3] =	sst s8  }
0x11: {  	[smem:$0x3FB4] =	sst s9;
	s0 =	simm.s32 @!p0 $0x0  }
0x12: {  	s1 =	sld [smem:$0x3F9A];
	s0 =	simm.s32 @p0 $0x1  }
0x13: {  	[smem:$0x3FB5] =	sst s0;
	s0 =	simm.s32 @!p1 $0x0  }
0x14: {  	s2 =	sld [smem:$0x3F99];
	s0 =	simm.s32 @p1 $0x1  }
0x15: {  	[smem:$0x3FB6] =	sst s0;
	s0 =	simm.s32 @!p2 $0x0  }
0x16: {  	s3 =	sld [smem:$0x3FDB];
	s0 =	simm.s32 @p2 $0x1  }
0x17: {  	s4 =	simm.s32 $0x1BF5;
	[smem:$0x3FB8] =	sst s0  }
0x18: {  	s0 =	sld [smem:$0x3F9B];
	_ =	swait.ge [sflag:s4], $0x0  }
0x19: {  	s7 =	sld [smem:$0x3F9C]  }
0x1a: {  	s8 =	sadd.s32 $0xFFFFE003, lr  }
0x1b: {  	s9 =	sadd.s32 $0xFFFFFEF7, lr;
	s5 =	simm.s32 $0xFFFFFFFF;
	p2 =	slt.u32 s8, $0xFFFFF086  }
0x1c: {  	p1 =	slt.u32 s9, $0xF7A;
	s5 =	simm.s32 @!p2 $0x0  }
0x1d: {  	s5 =	simm.s32 @p1 $0x1;
	p0 =	seq.s32 s7, s2  }
0x1e: {  	s7 =	smul.u32 @!p0 $0xF7A, s2;
	p2 =	seq.s32 @!p0 s5, $0x0  }
0x1f: {  	s9 =	smul.u32 $0xF7A, s1;
	s8 =	simm.s32 @!p0 $0x1BF5;
	p2 =	por !p2, p0  }
0x20: {  	[sflag:s8] =	ssyncset.s32 @!p0 $0xFFFFF086;
	s6 =	sadd.s32 @!p0 s3, s7;
	s7 =	simm.s32 @!p0 $0x108  }
0x21: {  	s3 =	sadd.s32 s3, s9;
	s6 =	sadd.s32 @!p0 $0x88, s6;
	s7 =	simm.s32 @p2 $0x1082  }
0x22: {  	[simem:s7], [sflag:s8] =	dma.local @!p0 [hbm:s6], $0xF7A  }
0x23: {  	s9 =	sor.u32 $0xD0000000, s2;
	s6 =	simm.s32 $0x108;
	_ =	swait.ge @!p0 [sflag:s8], $0x0  }
0x24: {  	s3 =	sadd.s32 $0x88, s3;
	s6 =	simm.s32 @!p1 $0x1082;
	[sflag:s4] =	ssyncset.s32 $0xFFFFF086  }
0x25: {  	[simem:s6], [sflag:s4] =	dma.local [hbm:s3], $0xF7A  }
0x26: {  	[smem:$0x3F9C] =	sst s1;
	(tag) =	ssettag s2;
	_ =	strace s9  }
0x27: {  	s1 =	sld [smem:$0x3FAC]  }
0x28: {  	s2 =	sld [smem:$0x3FAD]  }
0x29: {  	s4 =	sld [smem:$0x3FAF]  }
0x2a: {  	p0 =	seq.s32 s5, $0x0;
	s5 =	sld [smem:$0x3FB0]  }
0x2b: {  	s6 =	sld [smem:$0x3FB1]  }
0x2c: {  	s7 =	sld [smem:$0x3FB2]  }
0x2d: {  	s3 =	simm.s32 $0x108;
	s8 =	sld [smem:$0x3FB3]  }
0x2e: {  	s3 =	simm.s32 @!p0 $0x1082;
	s9 =	sld [smem:$0x3FB4]  }
0x2f: {  	lr =	sadd.s32 s0, s3;
	s0 =	sld [smem:$0x3FAB]  }
0x30: {  	s3 =	sld [smem:$0x3FAE]  }
0x31: {  	[smem:$0x3FB7] =	sst s10  }
0x32: {  	s10 =	sld [smem:$0x3FB5];
	_ =	sdelay $0x3  }
0x33: {  	p0 =	seq.s32 s10, $0x1;
	s10 =	sld [smem:$0x3FB7];
	_ =	sdelay $0x3  }
0x34: {  	[smem:$0x3FB7] =	sst s10  }
0x35: {  	s10 =	sld [smem:$0x3FB6];
	_ =	sdelay $0x3  }
0x36: {  	p1 =	seq.s32 s10, $0x1;
	s10 =	sld [smem:$0x3FB7];
	_ =	sdelay $0x3  }
0x37: {  	[smem:$0x3FB7] =	sst s10  }
0x38: {  	s10 =	sld [smem:$0x3FB8]  }
0x39: {  	_ = 	snop;
	(pc) =	sbr.ind lr, $3  }
0x3a: {  	_ = 	snop  }
0x3b: {  	_ = 	snop  }
0x3c: {  	p2 =	seq.s32 s10, $0x1;
	s10 =	sld [smem:$0x3FB7]  }
0x3d: {  	_ =	shalt  }
0x3e: {  	_ =	shalt  }
0x3f: {  	_ =	shalt  }
0x40: {  	_ =	shalt  }
0x41: {  	_ =	shalt  }
0x42: {  	_ =	shalt  }
0x43: {  	_ =	shalt  }
0x44: {  	_ =	shalt  }
0x45: {  	_ =	shalt  }
0x46: {  	_ =	shalt  }
0x47: {  	_ =	shalt  }
0x48: {  	_ =	shalt  }
0x49: {  	_ =	shalt  }
0x4a: {  	_ =	shalt  }
0x4b: {  	_ =	shalt  }
0x4c: {  	_ =	shalt  }
0x4d: {  	_ =	shalt  }
0x4e: {  	_ =	shalt  }
0x4f: {  	_ =	shalt  }
0x50: {  	_ =	shalt  }
0x51: {  	_ =	shalt  }
0x52: {  	_ =	shalt  }
0x53: {  	_ =	shalt  }
0x54: {  	_ =	shalt  }
0x55: {  	_ =	shalt  }
0x56: {  	_ =	shalt  }
0x57: {  	_ =	shalt  }
0x58: {  	_ =	shalt  }
0x59: {  	_ =	shalt  }
0x5a: {  	_ =	shalt  }
0x5b: {  	_ =	shalt  }
0x5c: {  	_ =	shalt  }
0x5d: {  	_ =	shalt  }
0x5e: {  	_ =	shalt  }
0x5f: {  	_ =	shalt  }
0x60: {  	_ =	shalt  }
0x61: {  	_ =	shalt  }
0x62: {  	_ =	shalt  }
0x63: {  	_ =	shalt  }
0x64: {  	_ =	shalt  }
0x65: {  	_ =	shalt  }
0x66: {  	_ =	shalt  }
0x67: {  	_ =	shalt  }
0x68: {  	_ =	shalt  }
0x69: {  	_ =	shalt  }
0x6a: {  	_ =	shalt  }
0x6b: {  	_ =	shalt  }
0x6c: {  	_ =	shalt  }
0x6d: {  	_ =	shalt  }
0x6e: {  	_ =	shalt  }
0x6f: {  	_ =	shalt  }
0x70: {  	_ =	shalt  }
0x71: {  	_ =	shalt  }
0x72: {  	_ =	shalt  }
0x73: {  	_ =	shalt  }
0x74: {  	_ =	shalt  }
0x75: {  	_ =	shalt  }
0x76: {  	_ =	shalt  }
0x77: {  	_ =	shalt  }
0x78: {  	_ =	shalt  }
0x79: {  	_ =	shalt  }
0x7a: {  	_ =	shalt  }
0x7b: {  	_ =	shalt  }
0x7c: {  	_ =	shalt  }
0x7d: {  	_ =	shalt  }
0x7e: {  	_ =	shalt  }
0x7f: {  	_ =	shalt  }
0x80: {  	_ =	shalt  }
0x81: {  	_ =	shalt  }
0x82: {  	_ =	shalt  }
0x83: {  	_ =	shalt  }
0x84: {  	_ =	shalt  }
0x85: {  	_ =	shalt  }
0x86: {  	_ =	shalt  }
0x87: {  	_ =	shalt  }
.Lfunc_end0:
.L_simem_size_0:
called_computation_lowered:
.L_overlay_start_0:
0x88: {  	s2 =	sld [smem:$0x3FD9]  }
0x89: {  	s3 =	sld [smem:$0x3FFE];
	_ =	sdelay $0x1  }
0x8a: {  	s1 =	srdreg.scid  }
0x8b: {  	s0 =	sand.u32 $0x1, s1  }
0x8c: {  	s17 =	sshll.u32 s0, $0xA;
	s2 =	sadd.s32 s3, s2  }
0x8d: {  	s2 =	sadd.s32 s2, s17  }
0x8e: {  	[smem:$0x3FC3] =	sst s2  }
0x8f: {  	_ = 	snop  }
0x90: {  	s2 =	sld [smem:$0x3FD0];
	(tm) =	ssettm $0x1  }
0x91: {  	s18 =	sld [smem:$0x3FFB];
	_ =	sdelay $0x3  }
0x92: {  	_ =	strace s18  }
0x93: {  	s3 =	sld [smem:$0x3FFC];
	_ =	sdelay $0x3  }
0x94: {  	_ =	strace s3  }
0x95: {  	s3 =	sld [smem:$0x3FFD];
	_ =	sdelay $0x3  }
0x96: {  	_ =	strace s3  }
0x97: {  	_ =	strace $0x8FFFFFFF  }
0x98: {  	s19 =	sld [smem:$0x3FDB];
	_ =	sdelay $0x1  }
0x99: {  	s4 =	simm.s32 $_scs_section_size  }
0x9a: {  	s5 =	simm.s32 $_size__tile_overlayer_lowered;
	s6 =	simm.s32 $_tile_overlayer_lowered  }
0x9b: {  	s22 =	simm.s32 $0x1BFF;
	s21 =	sshll.u32 s6, $0x1;
	s3 =	sadd.s32 s4, s19  }
0x9c: {  	s7 =	simm.s32 $0x0;
	s20 =	sshll.u32 s5, $0x1;
	s5 =	sadd.s32 s21, s3  }
0x9d: {  	[timem:s7], [sflag:s22] =	dma.local [hbm:s5], s20  }
0x9e: {  	_ =	swait.ge [sflag:s22], s20  }
0x9f: {  	s4 =	ssub.s32 $0x0, s20;
	[sflag:s22] =	ssyncset.done $0x0  }
0xa0: {  	[sflag:s22] =	ssyncadd.s32 s4;
	_ =	sdelay $0x1  }
0xa1: {  	s23 =	simm.s32 $0x1B8B  }
0xa2: {  	_ =	swait.ge [sflag:s23], $0x1  }
0xa3: {  	[sflag:s23] =	ssyncset.done $0x0  }
0xa4: {  	s25 =	simm.s32 $0x1B8E;
	s24 =	sld [smem:$0x3FFE];
	[sflag:s23] =	ssyncadd.s32 $0xFFFFFFFF  }
0xa5: {  	s26 =	simm.s32 $execute0_lowered;
	[smem:$0x3FD2] =	sst s25  }
0xa6: {  	s5 =	sshll.u32 s26, $0x1;
	_ =	strace $0x80000046;
	[dreg:$0x1] =	wrdreg $0xFFFFFFFF  }
0xa7: {  	s28 =	simm.s32 $_size_execute0_lowered;
	s3 =	sadd.s32 s3, s5;
	[dreg:$0x0] =	wrdreg $0x0  }
0xa8: {  	s5 =	sshll.u32 s28, $0x1;
	[dreg:$0x2] =	wrdreg s3  }
0xa9: {  	[dreg:$0x3] =	wrdreg s5  }
0xaa: {  	[dreg:$0x4] =	wrdreg $0xC0  }
0xab: {  	_ =	task [dreg:s7], $0x5FFFF  }
0xac: {  	[dreg:$0x1] =	wrdreg $0xFFFFFFFF  }
0xad: {  	[dreg:$0x0] =	wrdreg $0x60  }
0xae: {  	[dreg:$0x2] =	wrdreg s24  }
0xaf: {  	[dreg:$0x3] =	wrdreg s2  }
0xb0: {  	[dreg:$0x4] =	wrdreg $0x98800  }
0xb1: {  	[dreg:$0x5] =	wrdreg $0x9  }
0xb2: {  	_ =	task.clear_ibuf [dreg:s7], $0x6FFFF;
	_ =	strace $0x90000046  }
0xb3: {  	s29 =	simm.s32 $0x9;
	_ =	strace $0x80000048  }
0xb4: {  	_ =	swait.ge [sflag:s29], $0x1  }
0xb5: {  	[sflag:s29] =	ssyncadd.s32 $0xFFFFFFFF  }
0xb6: {  	_ =	strace $0x90000048  }
0xb7: {  	_ =	sfence  }
0xb8: {  	s30 =	sld [smem:$0x0];
	_ =	sdelay $0x2  }
0xb9: {  	s31 =	sshll.u32 s1, $0xD;
	s1 =	sshrl.u32 s1, $0x2  }
0xba: {  	s3 =	sand.u32 $0x4000, s31;
	s1 =	sadd.s32 s1, s30  }
0xbb: {  	s0 =	sor.u32 s3, s0;
	s1 =	sshll.u32 s1, $0x11  }
0xbc: {  	s0 =	sor.u32 s1, s0  }
0xbd: {  	s0 =	sadd.s32 $0x8F2B, s0  }
0xbe: {  	[sflag:s0] =	ssyncadd.remote.s32 $0x1  }
0xbf: {  	_ =	sfence.sel $0xFFFF  }
0xc0: {  	[dreg:$0x0] =	wrdreg $0xFFFFFFFF;
	(pc) =	sbr.abs _section_cstart, $3  }
0xc1: {  	[dreg:$0x1] =	wrdreg $0xFFFFFFFF  }
0xc2: {  	_ =	task.clear_ibuf [dreg:s7], $0x2FFFF;
	_ =	strace $0x9FFFFFFF  }
0xc3: {  	(tm) =	ssettm $0x7FFFFFFF  }
tec
execute0_lowered:
.L_overlay_start_1:
0x0: {  	(tag) =	ssettag $0x1  }
0x1: {  	s1 =	rddreg [dreg:$0x0]  }
0x2: {  	s3 =	rddreg [dreg:$0x1]  }
0x3: {  	s4 =	rddreg [dreg:$0x2]  }
0x4: {  	s6 =	srdreg.scid;
	s2 =	stileid.u32;
	s5 =	simm.s32 $0x0  }
0x5: {  	s17 =	simm.s32 $0x2;
	s18 =	simm.s32 $0x2780;
	s19 =	simm.s32 $0x5080  }
0x6: {  	s20 =	simm.s32 $0x4F00;
	s21 =	simm.s32 $0x4F80;
	s22 =	simm.s32 $0x80  }
0x7: {  	s23 =	simm.s32 $0x1;
	s24 =	simm.s32 $0x5000;
	s25 =	simm.s32 $0x0  }
0x8: {  	s9 =	sand.u32 $0x1, s6;
	s10 =	smul.u32 $0x16380, s2;
	[smem:$0x7FF] =	sst s5  }
0x9: {  	s6 =	sadd.s32 $0x2CE00, s1;
	s7 =	sadd.s32 $0x2C800, s1;
	s12 =	smul.u32 $0x58E00, s2  }
0xa: {  	s30 =	sshll.u32 s2, $0x1;
	s8 =	smul.u32 $0x163800, s9;
	s13 =	ssub.s32 $0x2, s9  }
0xb: {  	_ =	strace $0x80000047;
	s14 =	sor.u32 s9, s30;
	s29 =	sshrl.u32 s13, $0x1  }
0xc: {  	s12 =	sshrl.u32 s12, $0x2;
	s9 =	sadd.s32 s10, s4;
	s14 =	smul.u32 $0x2780, s14  }
0xd: {  	s11 =	sadd.s32 s10, s8;
	s8 =	sadd.s32 $0x2D400, s1;
	s31 =	sadd.s32 s12, s4  }
0xe: {  	s16 =	ssub.s32 s13, s29;
	s11 =	sshrl.u32 s11, $0x3;
	s10 =	sadd.s32 $0x4800, s31  }
0xf: {  	s12 =	sadd.s32 $0xD800, s31;
	s13 =	sadd.s32 $0x12000, s31;
	s15 =	sadd.s32 s11, s1  }
0x10: {  	v0 =	vimm.f32 $0.0e+00;
	s16 =	smax.u32 s16, $0x1;
	s11 =	sadd.s32 $0x9000, s31;
	s15 =	sadd.s32 $0x37200, s15  }
.LBB2_1:
0x11: {  	[tilespmem:s5], [sflag:$0x2] =	stream.linear.gather [hbm4b:s6+s5], $0x2780, $0x38;
	[tilespmem:$0x1FC00] =	vst v63  }
0x12: {  	_ =	swait.ge [sflag:s17], $0x2780  }
0x13: {  	[sflag:s17] =	ssyncset.done $0x0  }
0x14: {  	[sflag:s17] =	ssyncadd.s32 $0xFFFFD880  }
0x15: {  	[tilespmem:s18], [sflag:$0x2] =	stream.linear.gather [hbm4b:s7+s5], $0x2780, $0x38;
	[tilespmem:$0x1FC00] =	vst v63  }
0x16: {  	_ =	swait.ge [sflag:s17], $0x2780  }
0x17: {  	[sflag:s17] =	ssyncset.done $0x0  }
0x18: {  	s26 =	simm.s32 $0x0;
	s28 =	simm.s32 $0x240;
	[sflag:s17] =	ssyncadd.s32 $0xFFFFD880  }
.LBB2_2:
0x19: {  	p0 =	sne.s32 s28, $0x11DC0;
	[tilespmem:s26+$0x5100] =	vst v0  }
0x1a: {  	[tilespmem:s26+$0x5080] =	vst v0  }
0x1b: {  	[tilespmem:s26+$0x5090] =	vst v0  }
0x1c: {  	[tilespmem:s26+$0x50A0] =	vst v0  }
.Ltmp0:
0x1d: {  	[tilespmem:s26+$0x50B0] =	vst v0;
	(pc) =	sbr.rel @p0 .LBB2_2-.Ltmp0, $4  }
0x1e: {  	[tilespmem:s26+$0x50C0] =	vst v0  }
0x1f: {  	[tilespmem:s26+$0x50D0] =	vst v0  }
0x20: {  	[tilespmem:s26+$0x50E0] =	vst v0  }
0x21: {  	[tilespmem:s26+$0x50F0] =	vst v0;
	s26 =	sshra.s32 s28, $0x2;
	s28 =	sadd.s32 $0x240, s28  }
0x22: {  	[tilespmem:s26+$0x5100] =	vst v0  }
0x23: {  	[tilespmem:s26+$0x5080] =	vst v0  }
0x24: {  	[tilespmem:s26+$0x5090] =	vst v0  }
0x25: {  	[tilespmem:s26+$0x50A0] =	vst v0  }
0x26: {  	[tilespmem:s26+$0x50B0] =	vst v0  }
0x27: {  	[tilespmem:s26+$0x50C0] =	vst v0  }
0x28: {  	[tilespmem:s26+$0x50D0] =	vst v0  }
0x29: {  	[tilespmem:s26+$0x50E0] =	vst v0  }
0x2a: {  	[tilespmem:s26+$0x50F0] =	vst v0  }
0x2b: {  	[spmem:s9] =	stream.linear.scatter [tilespmem:s19], [sflag:$0x2], $0x4800, $0x38;
	[tilespmem:$0x1FC00] =	vst v63  }
0x2c: {  	_ =	swait.ge [sflag:s17], $0x4800  }
0x2d: {  	[sflag:s17] =	ssyncset.done $0x0  }
0x2e: {  	[sflag:s17] =	ssyncadd.s32 $0xFFFFB800  }
0x2f: {  	[spmem:s10] =	stream.linear.scatter [tilespmem:s19], [sflag:$0x2], $0x4800, $0x38;
	[tilespmem:$0x1FC00] =	vst v63  }
0x30: {  	_ =	swait.ge [sflag:s17], $0x4800  }
0x31: {  	[sflag:s17] =	ssyncset.done $0x0  }
0x32: {  	[sflag:s17] =	ssyncadd.s32 $0xFFFFB800  }
0x33: {  	[spmem:s11] =	stream.linear.scatter [tilespmem:s19], [sflag:$0x2], $0x4800, $0x38;
	[tilespmem:$0x1FC00] =	vst v63  }
0x34: {  	_ =	swait.ge [sflag:s17], $0x4800  }
0x35: {  	[sflag:s17] =	ssyncset.done $0x0  }
0x36: {  	[sflag:s17] =	ssyncadd.s32 $0xFFFFB800  }
0x37: {  	[spmem:s12] =	stream.linear.scatter [tilespmem:s19], [sflag:$0x2], $0x4800, $0x38;
	[tilespmem:$0x1FC00] =	vst v63  }
0x38: {  	_ =	swait.ge [sflag:s17], $0x4800  }
0x39: {  	[sflag:s17] =	ssyncset.done $0x0  }
0x3a: {  	[sflag:s17] =	ssyncadd.s32 $0xFFFFB800  }
0x3b: {  	[spmem:s13] =	stream.linear.scatter [tilespmem:s19], [sflag:$0x2], $0x4380, $0x38;
	[tilespmem:$0x1FC00] =	vst v63  }
0x3c: {  	_ =	swait.ge [sflag:s17], $0x4380  }
0x3d: {  	[sflag:s17] =	ssyncset.done $0x0  }
0x3e: {  	[sflag:s17] =	ssyncadd.s32 $0xFFFFBC80  }
0x3f: {  	s26 =	simm.s32 $0x0;
	s28 =	simm.s32 $0x0;
	[bflag:$0x0] =	sbarrier.arrive $0xFFFF  }
.LBB2_4:
0x40: {  	s29 =	sshll.u32 s28, $0x7  }
0x41: {  	s29 =	sadd.s32 s14, s29  }
0x42: {  	s29 =	sshrl.u32 s29, $0x3  }
0x43: {  	s30 =	sadd.s32 s3, s29  }
0x44: {  	[tilespmem:s20], [sflag:$0x2] =	stream.linear.gather [hbm4b:s30+s26], $0x80, $0x38;
	[tilespmem:$0x1FC00] =	vst v63  }
0x45: {  	_ =	swait.ge [sflag:s17], $0x80  }
0x46: {  	[sflag:s17] =	ssyncset.done $0x0  }
0x47: {  	s29 =	sadd.s32 s8, s29;
	[sflag:s17] =	ssyncadd.s32 $0xFFFFFF80  }
0x48: {  	[tilespmem:s21], [sflag:$0x2] =	stream.linear.gather [hbm4b:s29+s26], $0x80, $0x38;
	[tilespmem:$0x1FC00] =	vst v63  }
0x49: {  	_ =	swait.ge [sflag:s17], $0x80  }
0x4a: {  	[sflag:s17] =	ssyncset.done $0x0  }
0x4b: {  	[sflag:s17] =	ssyncadd.s32 $0xFFFFFF80  }
0x4c: {  	v1 =	vld [tilespmem:$0x4F00]  }
0x4d: {  	v2 =	vld [tilespmem:$0x4F80];
	_ =	sdelay $0x6  }
0x4e: {  	v1 =	vld.idx.msk [tilespmem:v1+s26+$0x0], $0xffff  }
0x4f: {  	v2 =	vld.idx.msk [tilespmem:v2+s18+$0x0], $0xffff;
	_ =	sdelay $0x4  }
0x50: {  	v1 =	vadd.f32 v2, v1;
	_ =	sdelay $0x1  }
0x51: {  	v2 =	vmul.f32 $2.000000030e-01, v1  }
0x52: {  	vm0 =	vgt.f32 v1, $0.0e+00  }
0x53: {  	v1 =	vsel vm0, v1, v2  }
0x54: {  	v1 =	vmul.f32 $1.442695020e+00, v1;
	_ =	sdelay $0x1  }
0x55: {  	(erf) = vpow2.f32 v1;
	_ =	sdelay $0x2  }
0x56: {  	v1 =	vld [tilespmem:$0x4F10]  }
0x57: {  	v2 =	vld [tilespmem:$0x4F90];
	_ =	sdelay $0x4  }
0x58: {  	v3 =	vpop (erf)  }
0x59: {  	[tilespmem:$0x5000] =	vst v3  }
0x5a: {  	v1 =	vld.idx.msk [tilespmem:v1+s26+$0x0], $0xffff  }
0x5b: {  	v2 =	vld.idx.msk [tilespmem:v2+s18+$0x0], $0xffff;
	_ =	sdelay $0x4  }
0x5c: {  	v1 =	vadd.f32 v2, v1;
	_ =	sdelay $0x1  }
0x5d: {  	v2 =	vmul.f32 $2.000000030e-01, v1  }
0x5e: {  	vm9 =	vgt.f32 v1, $0.0e+00  }
0x5f: {  	v1 =	vsel vm9, v1, v2  }
0x60: {  	v1 =	vmul.f32 $1.442695020e+00, v1;
	_ =	sdelay $0x1  }
0x61: {  	(erf) = vpow2.f32 v1;
	_ =	sdelay $0x2  }
0x62: {  	v1 =	vld [tilespmem:$0x4F20]  }
0x63: {  	v2 =	vld [tilespmem:$0x4FA0];
	_ =	sdelay $0x4  }
0x64: {  	v3 =	vpop (erf)  }
0x65: {  	[tilespmem:$0x5010] =	vst v3  }
0x66: {  	v1 =	vld.idx.msk [tilespmem:v1+s26+$0x0], $0xffff  }
0x67: {  	v2 =	vld.idx.msk [tilespmem:v2+s18+$0x0], $0xffff;
	_ =	sdelay $0x4  }
0x68: {  	v1 =	vadd.f32 v2, v1;
	_ =	sdelay $0x1  }
0x69: {  	v2 =	vmul.f32 $2.000000030e-01, v1  }
0x6a: {  	vm10 =	vgt.f32 v1, $0.0e+00  }
0x6b: {  	v1 =	vsel vm10, v1, v2  }
0x6c: {  	v1 =	vmul.f32 $1.442695020e+00, v1;
	_ =	sdelay $0x1  }
0x6d: {  	(erf) = vpow2.f32 v1;
	_ =	sdelay $0x2  }
0x6e: {  	v1 =	vld [tilespmem:$0x4F30]  }
0x6f: {  	v2 =	vld [tilespmem:$0x4FB0];
	_ =	sdelay $0x4  }
0x70: {  	v3 =	vpop (erf)  }
0x71: {  	[tilespmem:$0x5020] =	vst v3  }
0x72: {  	v1 =	vld.idx.msk [tilespmem:v1+s26+$0x0], $0xffff  }
0x73: {  	v2 =	vld.idx.msk [tilespmem:v2+s18+$0x0], $0xffff;
	_ =	sdelay $0x4  }
0x74: {  	v1 =	vadd.f32 v2, v1;
	_ =	sdelay $0x1  }
0x75: {  	v2 =	vmul.f32 $2.000000030e-01, v1  }
0x76: {  	vm11 =	vgt.f32 v1, $0.0e+00  }
0x77: {  	v1 =	vsel vm11, v1, v2  }
0x78: {  	v1 =	vmul.f32 $1.442695020e+00, v1;
	_ =	sdelay $0x1  }
0x79: {  	(erf) = vpow2.f32 v1;
	_ =	sdelay $0x2  }
0x7a: {  	v1 =	vld [tilespmem:$0x4F40]  }
0x7b: {  	v2 =	vld [tilespmem:$0x4FC0];
	_ =	sdelay $0x4  }
0x7c: {  	v3 =	vpop (erf)  }
0x7d: {  	[tilespmem:$0x5030] =	vst v3  }
0x7e: {  	v1 =	vld.idx.msk [tilespmem:v1+s26+$0x0], $0xffff  }
0x7f: {  	v2 =	vld.idx.msk [tilespmem:v2+s18+$0x0], $0xffff;
	_ =	sdelay $0x4  }
0x80: {  	v1 =	vadd.f32 v2, v1;
	_ =	sdelay $0x1  }
0x81: {  	v2 =	vmul.f32 $2.000000030e-01, v1  }
0x82: {  	vm12 =	vgt.f32 v1, $0.0e+00  }
0x83: {  	v1 =	vsel vm12, v1, v2  }
0x84: {  	v1 =	vmul.f32 $1.442695020e+00, v1;
	_ =	sdelay $0x1  }
0x85: {  	(erf) = vpow2.f32 v1;
	_ =	sdelay $0x2  }
0x86: {  	v1 =	vld [tilespmem:$0x4F50]  }
0x87: {  	v2 =	vld [tilespmem:$0x4FD0];
	_ =	sdelay $0x4  }
0x88: {  	v3 =	vpop (erf)  }
0x89: {  	[tilespmem:$0x5040] =	vst v3  }
0x8a: {  	v1 =	vld.idx.msk [tilespmem:v1+s26+$0x0], $0xffff  }
0x8b: {  	v2 =	vld.idx.msk [tilespmem:v2+s18+$0x0], $0xffff;
	_ =	sdelay $0x4  }
0x8c: {  	v1 =	vadd.f32 v2, v1;
	_ =	sdelay $0x1  }
0x8d: {  	v2 =	vmul.f32 $2.000000030e-01, v1  }
0x8e: {  	vm13 =	vgt.f32 v1, $0.0e+00  }
0x8f: {  	v1 =	vsel vm13, v1, v2  }
0x90: {  	v1 =	vmul.f32 $1.442695020e+00, v1;
	_ =	sdelay $0x1  }
0x91: {  	(erf) = vpow2.f32 v1;
	_ =	sdelay $0x2  }
0x92: {  	v1 =	vld [tilespmem:$0x4F60]  }
0x93: {  	v2 =	vld [tilespmem:$0x4FE0];
	_ =	sdelay $0x4  }
0x94: {  	v3 =	vpop (erf)  }
0x95: {  	[tilespmem:$0x5050] =	vst v3  }
0x96: {  	v1 =	vld.idx.msk [tilespmem:v1+s26+$0x0], $0xffff  }
0x97: {  	v2 =	vld.idx.msk [tilespmem:v2+s18+$0x0], $0xffff;
	_ =	sdelay $0x4  }
0x98: {  	v1 =	vadd.f32 v2, v1;
	_ =	sdelay $0x1  }
0x99: {  	v2 =	vmul.f32 $2.000000030e-01, v1  }
0x9a: {  	vm14 =	vgt.f32 v1, $0.0e+00  }
0x9b: {  	v1 =	vsel vm14, v1, v2  }
0x9c: {  	v1 =	vmul.f32 $1.442695020e+00, v1;
	_ =	sdelay $0x1  }
0x9d: {  	(erf) = vpow2.f32 v1;
	_ =	sdelay $0x2  }
0x9e: {  	v1 =	vld [tilespmem:$0x4F70]  }
0x9f: {  	v2 =	vld [tilespmem:$0x4FF0];
	_ =	sdelay $0x4  }
0xa0: {  	v3 =	vpop (erf)  }
0xa1: {  	[tilespmem:$0x5060] =	vst v3  }
0xa2: {  	v1 =	vld.idx.msk [tilespmem:v1+s26+$0x0], $0xffff  }
0xa3: {  	v2 =	vld.idx.msk [tilespmem:v2+s18+$0x0], $0xffff;
	_ =	sdelay $0x4  }
0xa4: {  	v1 =	vadd.f32 v2, v1;
	_ =	sdelay $0x1  }
0xa5: {  	v2 =	vmul.f32 $2.000000030e-01, v1  }
0xa6: {  	vm15 =	vgt.f32 v1, $0.0e+00  }
0xa7: {  	v1 =	vsel vm15, v1, v2  }
0xa8: {  	v1 =	vmul.f32 $1.442695020e+00, v1;
	_ =	sdelay $0x1  }
0xa9: {  	(erf) = vpow2.f32 v1;
	_ =	sdelay $0x8  }
0xaa: {  	v1 =	vpop (erf)  }
0xab: {  	[tilespmem:$0x5070] =	vst v1  }
0xac: {  	[tilespmem:s19], [sflag:$0x1] =	stream.indirect.gather [hbm4b:s1+s22], $0x90, s20, s22, $0xb8;
	[tilespmem:$0x1FC00] =	vst v63  }
0xad: {  	_ =	swait.ge [sflag:s23], $0x4800  }
0xae: {  	v1 =	vmov s26;
	[sflag:s23] =	ssyncset.done $0x0  }
0xaf: {  	s29 =	simm.s32 $0x50C0;
	[sflag:s23] =	ssyncadd.s32 $0xFFFFB800  }
0xb0: {  	v6 =	vld [tilespmem:s29+$0xFFFFFFC0]  }
0xb1: {  	v9 =	vld [tilespmem:s29+$0x30]  }
0xb2: {  	v7 =	vld [tilespmem:s29+$0x40]  }
0xb3: {  	v2 =	vld.idx.msk [tilespmem:v1+s24+$0x0], $0xffff  }
0xb4: {  	v11 =	vld [tilespmem:s29+$0xFFFFFFE0]  }
0xb5: {  	v1 =	vld [tilespmem:s29+$0xFFFFFFF0]  }
0xb6: {  	v3 =	vld [tilespmem:s29+$0x20]  }
0xb7: {  	v4 =	vld [tilespmem:s29+$0xFFFFFFD0]  }
0xb8: {  	v5 =	vld [tilespmem:s29+$0x10]  }
0xb9: {  	v10 =	vmul.f32 v6, v2;
	v8 =	vmul.f32 v7, v2;
	v6 =	vld [tilespmem:s29+$0x0]  }
0xba: {  	s31 =	simm.s32 $0x50C0;
	s30 =	simm.s32 $0x1;
	v7 =	vmul.f32 v11, v2;
	v9 =	vmul.f32 v9, v2  }
.LBB2_5:
0xbb: {  	p0 =	sne.s32 s30, $0x7F  }
0xbc: {  	[tilespmem:s29+$0xFFFFFFC0] =	vst v10;
	v4 =	vmul.f32 v4, v2;
	v3 =	vmul.f32 v3, v2;
	s31 =	sadd.s32 $0x90, s31;
	s0 =	smov.u32 s30;
	s30 =	sadd.s32 $0x1, s30  }
0xbd: {  	v10 =	vmul.f32 v1, v2;
	v1 =	vmul.f32 v5, v2;
	[tilespmem:s29+$0x40] =	vst v8  }
0xbe: {  	v2 =	vmul.f32 v6, v2;
	[tilespmem:s29+$0x30] =	vst v9  }
0xbf: {  	[tilespmem:s29+$0xFFFFFFE0] =	vst v7  }
0xc0: {  	v5 =	vmov s0;
	[tilespmem:s29+$0x10] =	vst v1  }
0xc1: {  	v1 =	vld [tilespmem:s31+$0xFFFFFFF0];
	[tilespmem:s29+$0x0] =	vst v2  }
0xc2: {  	v7 =	vld [tilespmem:s31+$0xFFFFFFC0];
	[tilespmem:s29+$0xFFFFFFF0] =	vst v10  }
0xc3: {  	v9 =	vld [tilespmem:s31+$0x30];
	[tilespmem:s29+$0x20] =	vst v3  }
0xc4: {  	v8 =	vld [tilespmem:s31+$0x40];
	[tilespmem:s29+$0xFFFFFFD0] =	vst v4;
	s29 =	smov.u32 s31  }
0xc5: {  	v2 =	vld.idx.msk [tilespmem:v5+s24+$0x0], $0xffff  }
0xc6: {  	v11 =	vld [tilespmem:s31+$0xFFFFFFE0]  }
0xc7: {  	v3 =	vld [tilespmem:s31+$0x20]  }
.Ltmp1:
0xc8: {  	v4 =	vld [tilespmem:s31+$0xFFFFFFD0];
	(pc) =	sbr.rel @p0 .LBB2_5-.Ltmp1, $4  }
0xc9: {  	v5 =	vld [tilespmem:s31+$0x10]  }
0xca: {  	v6 =	vld [tilespmem:s31+$0x0]  }
0xcb: {  	v10 =	vmul.f32 v7, v2;
	v8 =	vmul.f32 v8, v2  }
0xcc: {  	v9 =	vmul.f32 v9, v2;
	v7 =	vmul.f32 v11, v2  }
0xcd: {  	[tilespmem:s29+$0xFFFFFFC0] =	vst v10  }
0xce: {  	[tilespmem:s29+$0x40] =	vst v8  }
0xcf: {  	v1 =	vmul.f32 v1, v2;
	[tilespmem:s29+$0x30] =	vst v9  }
0xd0: {  	v3 =	vmul.f32 v3, v2;
	[tilespmem:s29+$0xFFFFFFE0] =	vst v7  }
0xd1: {  	v5 =	vmul.f32 v5, v2;
	[tilespmem:s29+$0xFFFFFFF0] =	vst v1  }
0xd2: {  	v6 =	vmul.f32 v6, v2;
	[tilespmem:s29+$0x20] =	vst v3  }
0xd3: {  	s28 =	sadd.s32 $0x1, s28;
	v2 =	vmul.f32 v4, v2;
	[tilespmem:s29+$0x10] =	vst v5  }
0xd4: {  	p0 =	sne.s32 s28, $0x4F;
	[tilespmem:s29+$0x0] =	vst v6  }
.Ltmp2:
0xd5: {  	[tilespmem:s29+$0xFFFFFFD0] =	vst v2;
	(pc) =	sbr.rel @p0 .LBB2_4-.Ltmp2, $4  }
0xd6: {  	[spmem:s4] =	stream.indirect.scatter.add.f32 [tilespmem:s19], [sflag:$0x2], $0x90, s21, s22, $0xb8;
	[tilespmem:$0x1FC00] =	vst v63  }
0xd7: {  	_ =	swait.ge [sflag:s17], $0x4800  }
0xd8: {  	[sflag:s17] =	ssyncset.done $0x0  }
0xd9: {  	[sflag:s17] =	ssyncadd.s32 $0xFFFFB800  }
0xda: {  	s25 =	sadd.s32 $0x1, s25  }
0xdb: {  	s0 =	sshll.u32 s2, $0x6;
	[bflag:$0x0] =	sbarrier.arrive $0xFFFF;
	p0 =	sne.s32 s25, s16  }
.Ltmp3:
0xdc: {  	s26 =	sshrl.u32 s9, $0x3;
	s0 =	sor.u32 $0x1C02, s0;
	(pc) =	sbr.rel @p0 .LBB2_1-.Ltmp3, $4  }
0xdd: {  	[hbm:s15], [sflag:s0] =	dma.local [spmem:s26], $0x2C70  }
0xde: {  	_ =	swait.ge [sflag:s17], $0x2C70  }
0xdf: {  	[sflag:s17] =	ssyncset.done $0x0  }
0xe0: {  	[sflag:s17] =	ssyncadd.s32 $0xFFFFD390  }
0xe1: {  	_ =	sfence.sel $0x180000  }
0xe2: {  	[bflag:$0x0] =	sbarrier.arrive $0xFFFF  }
0xe3: {  	_ =	strace $0x90000047  }
0xe4: {  	[bflag:$0x2] =	sbarrier.arrive $0xFFFF  }
0xe5: {  	p0 =	sne.s32 s2, $0x0;
	s0 =	rddreg [dreg:$0x3]  }
0xe6: {  	s0 =	sadd.s32 @!p0 $0x100000, s0  }
0xe7: {  	[sflag:s0] =	ssyncadd.tile.s32 @!p0 $0x1;
	_ =	shalt  }
.Lfunc_end2:
_tile_overlayer_lowered:
.L_overlay_start_2:
0xe8: {  	(tag) =	ssettag $0x2  }
0xe9: {  	s0 =	rddreg [dreg:$0x0];
	s2 =	stileid.u32  }
0xea: {  	s1 =	rddreg [dreg:$0x1];
	p0 =	sne.s32 s2, $0x0  }
0xeb: {  	s3 =	rddreg [dreg:$0x2];
	[bflag:$0x3] =	sbarrier.arrive $0xFFFF;
	s2 =	simm.s32 @!p0 $0x1C02  }
0xec: {  	[timem:s3], [sflag:s2] =	dma.local @!p0 [hbm:s0], s1  }
0xed: {  	s0 =	simm.s32 @!p0 $0x2  }
0xee: {  	_ =	swait.ge @!p0 [sflag:s0], s1  }
0xef: {  	s1 =	ssub.s32 @!p0 $0x0, s1;
	[sflag:s0] =	ssyncset.done @!p0 $0x0  }
0xf0: {  	[sflag:s0] =	ssyncadd.s32 @!p0 s1  }
0xf1: {  	[bflag:$0x3] =	sbarrier.arrive $0xFFFF  }
0xf2: {  	_ =	shalt  }

</sc_bundles>
